<compile_context>
chip_gen: v7x
topology: tpu7x:2x2x1
jax: 0.10.2.dev20260603
libtpu: 0.0.44.dev20260713+nightly
codegen_flags: <defaults>
</compile_context>

<pallas_src>
import functools

import jax
import jax.numpy as jnp
import numpy as np
from jax import lax
from jax.experimental import pallas as pl
from jax.experimental.pallas import tpu as pltpu
from jax.experimental.pallas import tpu_sc as plsc

_D = 128
_B = 16
_L = 512
_LV = 9
_N1 = _B * _L // 2
_CH = 2
_CR = _N1 // _CH


def _bitrev_perm():
    l = np.arange(_L)
    rev = np.zeros(_L, dtype=np.int64)
    for b in range(_LV):
        rev |= ((l >> b) & 1) << (_LV - 1 - b)
    perm = np.zeros(_B * _L, dtype=np.int32)
    t = np.arange(_B)
    perm[rev[:, None] * _B + (_B - 1 - t)[None, :]] = (t[None, :] * _L + l[:, None])
    return perm


def _sc_gather(emb, tokens, perm):
    (B,) = tokens.shape
    V, D = emb.shape
    info = plsc.get_sparse_core_info()
    nw = info.num_cores * info.num_subcores
    bpw = B // nw
    mesh = plsc.VectorSubcoreMesh(core_axis_name="c", subcore_axis_name="s")

    @functools.partial(
        pl.kernel,
        mesh=mesh,
        out_type=jax.ShapeDtypeStruct((B, D), emb.dtype),
        scratch_types=[
            pltpu.VMEM((bpw,), jnp.int32),
            pltpu.VMEM((bpw,), jnp.int32),
            pltpu.VMEM((bpw, D), emb.dtype),
            pltpu.SemaphoreType.DMA,
        ],
    )
    def gather_k(perm_hbm, tok_hbm, table_hbm, out_hbm, perm_v, idx_v, rows_v,
                 sem):
        wid = lax.axis_index("s") * info.num_cores + lax.axis_index("c")
        base = wid * bpw
        pltpu.sync_copy(perm_hbm.at[pl.ds(base, bpw)], perm_v)
        pltpu.async_copy(tok_hbm.at[perm_v], idx_v, sem).wait()
        pltpu.async_copy(table_hbm.at[idx_v], rows_v, sem).wait()
        pltpu.sync_copy(rows_v, out_hbm.at[pl.ds(base, bpw)])

    return gather_k(perm, tokens, emb)


def _sigp(v):
    return 0.5 * jnp.tanh(v) + 0.5


def _binary_unary(h1, h2, m1, m2, wb_ref, bb_ref, wbs_ref, bbs_ref, wu_ref,
                  bu_ref, wus_ref, bus_ref):
    f32 = jnp.float32
    g = (jnp.dot(h1, wb_ref[0:_D, :], preferred_element_type=f32)
         + jnp.dot(h2, wb_ref[_D:2 * _D, :], preferred_element_type=f32)
         + bb_ref[...])
    i = _sigp(g[:, 0:_D])
    f1 = _sigp(g[:, _D:2 * _D])
    f2 = _sigp(g[:, 2 * _D:3 * _D])
    o = _sigp(g[:, 3 * _D:4 * _D])
    u = jnp.tanh(g[:, 4 * _D:5 * _D])
    c = i * u
    if m1:
        c = c + f1 * m1[0] + f2 * m2[0]
    hb = o * jnp.tanh(c)
    hbb = hb.astype(jnp.bfloat16)
    alpha = _sigp(
        jnp.dot(h1, wbs_ref[0:_D, :], preferred_element_type=f32)
        + jnp.dot(h2, wbs_ref[_D:2 * _D, :], preferred_element_type=f32)
        + bbs_ref[...])
    mb = [c]
    if m1:
        mb += [alpha * a + (1.0 - alpha) * b for a, b in zip(m1[:3], m2[:3])]
    gu = (jnp.dot(hbb, wu_ref[...], preferred_element_type=f32) + bu_ref[...])
    iu = _sigp(gu[:, 0:_D])
    fu = _sigp(gu[:, _D:2 * _D])
    ou = _sigp(gu[:, 2 * _D:3 * _D])
    uu = jnp.tanh(gu[:, 3 * _D:4 * _D])
    cu = iu * uu + fu * mb[0]
    hu = ou * jnp.tanh(cu)
    beta = _sigp(
        jnp.dot(hbb, wus_ref[...], preferred_element_type=f32) + bus_ref[...])
    return hu, [cu] + [beta * s for s in mb[:3]]


def _tree_body(h0a_ref, h0b_ref, wb_ref, bb_ref, wbs_ref, bbs_ref, wu_ref,
               bu_ref, wus_ref, bus_ref, wo_ref, bo_ref, out_ref,
               hs_ref, ms0_ref, ms1_ref):
    j = pl.program_id(0)
    bf16 = jnp.bfloat16

    @pl.when(j < _CH)
    def _level1():
        h1 = h0a_ref[...].astype(bf16)
        h2 = h0b_ref[...].astype(bf16)
        hu, mu = _binary_unary(h1, h2, [], [], wb_ref, bb_ref, wbs_ref,
                               bbs_ref, wu_ref, bu_ref, wus_ref, bus_ref)
        base = j * _CR
        hs_ref[pl.ds(base, _CR), :] = hu
        ms0_ref[pl.ds(base, _CR), :] = mu[0]
        ms1_ref[pl.ds(base, _CR), :] = mu[1]

    @pl.when(j == _CH)
    def _rest():
        h = hs_ref[...]
        m = [ms0_ref[...], ms1_ref[...]]
        rows = _N1
        while rows > _B:
            half = rows // 2
            h1 = h[:half].astype(bf16)
            h2 = h[half:].astype(bf16)
            m1 = [s[:half] for s in m]
            m2 = [s[half:] for s in m]
            h, m = _binary_unary(h1, h2, m1, m2, wb_ref, bb_ref, wbs_ref,
                                 bbs_ref, wu_ref, bu_ref, wus_ref, bus_ref)
            rows = half
        out_ref[...] = (
            jnp.dot(h.astype(bf16), wo_ref[...],
                    preferred_element_type=jnp.float32) + bo_ref[...])


def kernel(tokens, lengths, emb, Wb, bb, Wbs, bbs, Wu, bu, Wus, bus, Wo, bo):
    del lengths
    perm = jnp.asarray(_bitrev_perm())
    h0 = _sc_gather(emb, tokens.astype(jnp.int32), perm)

    bf16 = jnp.bfloat16
    f32 = jnp.float32
    Wb_s = jnp.concatenate([Wb[:, :4 * _D] * 0.5, Wb[:, 4 * _D:]],
                           axis=1).astype(bf16)
    bb_s = jnp.concatenate([bb[:4 * _D] * 0.5, bb[4 * _D:]]).reshape(1, -1)
    Wu_s = jnp.concatenate([Wu[:, :3 * _D] * 0.5, Wu[:, 3 * _D:]],
                           axis=1).astype(bf16)
    bu_s = jnp.concatenate([bu[:3 * _D] * 0.5, bu[3 * _D:]]).reshape(1, -1)
    Wbs_s = (Wbs * 0.5).astype(bf16)
    bbs_s = (bbs * 0.5).reshape(1, -1)
    Wus_s = (Wus * 0.5).astype(bf16)
    bus_s = (bus * 0.5).reshape(1, -1)

    def l1a(j):
        return (jnp.minimum(j, _CH - 1), 0)

    def l1b(j):
        return (_CH + jnp.minimum(j, _CH - 1), 0)

    def const(j):
        return (0, 0)

    grid = (_CH + 1,)
    in_specs = [
        pl.BlockSpec((_CR, _D), l1a),
        pl.BlockSpec((_CR, _D), l1b),
        pl.BlockSpec(Wb_s.shape, const),
        pl.BlockSpec(bb_s.shape, const),
        pl.BlockSpec(Wbs_s.shape, const),
        pl.BlockSpec(bbs_s.shape, const),
        pl.BlockSpec(Wu_s.shape, const),
        pl.BlockSpec(bu_s.shape, const),
        pl.BlockSpec(Wus_s.shape, const),
        pl.BlockSpec(bus_s.shape, const),
        pl.BlockSpec((_D, Wo.shape[1]), const),
        pl.BlockSpec((1, Wo.shape[1]), const),
    ]
    logits = pl.pallas_call(
        _tree_body,
        grid=grid,
        in_specs=in_specs,
        out_specs=pl.BlockSpec((_B, Wo.shape[1]), const),
        out_shape=jax.ShapeDtypeStruct((_B, Wo.shape[1]), jnp.float32),
        scratch_shapes=[
            pltpu.VMEM((_N1, _D), f32),
            pltpu.VMEM((_N1, _D), f32),
            pltpu.VMEM((_N1, _D), f32),
        ],
    )(h0, h0, Wb_s, bb_s, Wbs_s, bbs_s, Wu_s, bu_s, Wus_s, bus_s,
      Wo.astype(bf16), bo.reshape(1, -1))
    return logits

# --- scband reference (transcript-rebuilt; emitter-appended) ---
"""Pipeline reference for scband-tree-smu-5617817223310 (READ-ONLY COPY).

The authoritative reference and input builder live on the scoring server;
editing this copy changes nothing except your own understanding.
"""

import jax, jax.numpy as jnp
import numpy as np

B_TREES = 16
N_LEAVES = 512
D = 128
S = 4
VOCAB = 512


def _binary_smu(h1, h2, m1, m2, Wb, bb, Wbs, bbs):
    # h1,h2: [n, D]; m1,m2: [n, S, D]
    x = jnp.concatenate([h1, h2], axis=-1)            # [n, 2D]
    g = x @ Wb + bb                                   # [n, 5D]
    i, f1, f2, o, u = jnp.split(g, 5, axis=-1)
    i = jax.nn.sigmoid(i)
    f1 = jax.nn.sigmoid(f1)
    f2 = jax.nn.sigmoid(f2)
    o = jax.nn.sigmoid(o)
    u = jnp.tanh(u)
    c = i * u + f1 * m1[:, 0, :] + f2 * m2[:, 0, :]
    h = o * jnp.tanh(c)
    # BinaryStack: gated merge of child stacks, push new cell on top
    alpha = jax.nn.sigmoid(x @ Wbs + bbs)             # [n, D]
    merged = alpha[:, None, :] * m1[:, : S - 1, :] + (1.0 - alpha[:, None, :]) * m2[:, : S - 1, :]
    m = jnp.concatenate([c[:, None, :], merged], axis=1)
    return h, m


def _unary_smu(h1, m1, Wu, bu, Wus, bus):
    g = h1 @ Wu + bu                                  # [n, 4D]
    i, f, o, u = jnp.split(g, 4, axis=-1)
    i = jax.nn.sigmoid(i)
    f = jax.nn.sigmoid(f)
    o = jax.nn.sigmoid(o)
    u = jnp.tanh(u)
    c = i * u + f * m1[:, 0, :]
    h = o * jnp.tanh(c)
    # UnaryStack: gated push
    beta = jax.nn.sigmoid(h1 @ Wus + bus)
    pushed = beta[:, None, :] * m1[:, : S - 1, :]
    m = jnp.concatenate([c[:, None, :], pushed], axis=1)
    return h, m


def _forward(tokens, emb, Wb, bb, Wbs, bbs, Wu, bu, Wus, bus, Wo, bo):
    B, L = B_TREES, N_LEAVES
    n_levels = int(np.log2(L))
    total = B * (3 * L - 2)
    activations = jnp.zeros((total, D), dtype=jnp.float32)
    memory = jnp.zeros((total, S, D), dtype=jnp.float32)
    # leaves: embedding lookup (gather), masked_scatter -> .at[].set
    leaf_act = jnp.take(emb, tokens, axis=0)
    activations = activations.at[jnp.arange(B * L)].set(leaf_act)
    prev_start = 0
    prev_count = L
    offset = B * L
    for _ in range(n_levels):
        nb = prev_count // 2
        t = np.arange(B)[:, None]
        i = np.arange(nb)[None, :]
        c1 = jnp.asarray((prev_start + t * prev_count + 2 * i).reshape(-1))
        c2 = c1 + 1
        # gather predecessors
        h1 = activations[c1]
        h2 = activations[c2]
        m1 = memory[c1]
        m2 = memory[c2]
        hb, mb = _binary_smu(h1, h2, m1, m2, Wb, bb, Wbs, bbs)
        bin_idx = jnp.arange(offset, offset + B * nb)
        activations = activations.at[bin_idx].add(hb)
        memory = memory.at[bin_idx].add(mb)
        offset += B * nb
        hu, mu = _unary_smu(hb, mb, Wu, bu, Wus, bus)
        un_idx = jnp.arange(offset, offset + B * nb)
        activations = activations.at[un_idx].add(hu)
        memory = memory.at[un_idx].add(mu)
        prev_start = offset
        offset += B * nb
        prev_count = nb
    # _compute_output on flipped activations (roots are first after flip)
    flipped = jnp.flip(activations, axis=0)
    roots = flipped[:B_TREES]
    logits = roots @ Wo + bo
    return logits


def setup_inputs(seed: int = 0):
    key = jax.random.key(seed)
    ks = jax.random.split(key, 12)
    tokens = jax.random.randint(ks[0], (B_TREES * N_LEAVES,), 0, VOCAB)
    lengths = jax.random.randint(ks[1], (B_TREES,), 1, 3 * N_LEAVES - 2)
    sc = 1.0 / np.sqrt(D)
    emb = jax.random.normal(ks[2], (VOCAB, D), dtype=jnp.float32) * sc
    Wb = jax.random.normal(ks[3], (2 * D, 5 * D), dtype=jnp.float32) * sc
    bb = jnp.zeros((5 * D,), dtype=jnp.float32)
    Wbs = jax.random.normal(ks[4], (2 * D, D), dtype=jnp.float32) * sc
    bbs = jnp.zeros((D,), dtype=jnp.float32)
    Wu = jax.random.normal(ks[5], (D, 4 * D), dtype=jnp.float32) * sc
    bu = jnp.zeros((4 * D,), dtype=jnp.float32)
    Wus = jax.random.normal(ks[6], (D, D), dtype=jnp.float32) * sc
    bus = jnp.zeros((D,), dtype=jnp.float32)
    Wo = jax.random.normal(ks[7], (D, 2), dtype=jnp.float32) * sc
    bo = jnp.zeros((2,), dtype=jnp.float32)
    return {"tokens": tokens, "lengths": lengths, "emb": emb, "Wb": Wb, "bb": bb,
            "Wbs": Wbs, "bbs": bbs, "Wu": Wu, "bu": bu, "Wus": Wus, "bus": bus,
            "Wo": Wo, "bo": bo}


def reference(tokens, lengths, emb, Wb, bb, Wbs, bbs, Wu, bu, Wus, bus, Wo, bo):
    del lengths  # per-tree node counts; tree structure is static here
    return _forward(tokens, emb, Wb, bb, Wbs, bbs, Wu, bu, Wus, bus, Wo, bo)

if __name__ == "__main__":
    import jax
    _d = setup_inputs()
    print(jax.jit(kernel)(*tuple(_d.values())))

</pallas_src>

<mosaic_0001>
#map = affine_map<(d0, d1) -> (0)>
#map1 = affine_map<(d0, d1) -> (0, 0)>
module attributes {stable_mosaic.version = 14 : i64} {
  func.func @gather_k(%arg0: i32, %arg1: i32, %arg2: memref<8192xi32, #tpu.memory_space<hbm>>, %arg3: memref<8192xi32, #tpu.memory_space<hbm>>, %arg4: memref<512x128xf32, #tpu.memory_space<hbm>>, %arg5: memref<8192x128xf32, #tpu.memory_space<hbm>>, %arg6: memref<256xi32, #tpu.memory_space<vmem>>, %arg7: memref<256xi32, #tpu.memory_space<vmem>>, %arg8: memref<256x128xf32, #tpu.memory_space<vmem>>, %arg9: memref<!tpu.dma_semaphore, #tpu.memory_space<semaphore_mem>>) attributes {dimension_semantics = [#tpu.dimension_semantics<core_parallel>, #tpu.dimension_semantics<subcore_parallel>], iteration_bounds = array<i64: 2, 16>, scalar_prefetch = 0 : i64, scratch_operands = 4 : i64, tpu.core_type = #tpu.core_type<sc_vector_subcore>, window_params = [{transform_indices = #map}, {transform_indices = #map}, {transform_indices = #map1}, {transform_indices = #map1}]} {
    %mul3A = arith.constant 2 : i32
    %mul3A_0 = arith.muli %arg1, %mul3A : i32
    %add3A = arith.addi %mul3A_0, %arg0 : i32
    %mul3A_1 = arith.constant 256 : i32
    %mul3A_2 = arith.muli %add3A, %mul3A_1 : i32
    "tpu.region"() ({
      %run_scoped3A = tpu.sem_alloc : memref<!tpu.dma_semaphore, #tpu.memory_space<semaphore_mem>>
      %dma_start3A_11 = tpu.memref_slice %arg2[%mul3A_2] : memref<8192xi32, #tpu.memory_space<hbm>> -> memref<256xi32, #tpu.memory_space<hbm>>
      %dma_start3A_12 = tpu.memref_slice %arg2[%mul3A_2] : memref<8192xi32, #tpu.memory_space<hbm>> -> memref<256xi32, #tpu.memory_space<hbm>>
      tpu.enqueue_dma source(%dma_start3A_12 : memref<256xi32, #tpu.memory_space<hbm>>) target(%arg6 : memref<256xi32, #tpu.memory_space<vmem>>) target_semaphore(%run_scoped3A : memref<!tpu.dma_semaphore, #tpu.memory_space<semaphore_mem>>)
      %dma_wait3A_13 = tpu.memref_slice %arg2[%mul3A_2] : memref<8192xi32, #tpu.memory_space<hbm>> -> memref<256xi32, #tpu.memory_space<hbm>>
      %dma_wait3A_14 = tpu.memref_slice %arg2[%mul3A_2] : memref<8192xi32, #tpu.memory_space<hbm>> -> memref<256xi32, #tpu.memory_space<hbm>>
      tpu.wait_dma2 semaphore(%run_scoped3A : memref<!tpu.dma_semaphore, #tpu.memory_space<semaphore_mem>>) src(%dma_wait3A_14 : memref<256xi32, #tpu.memory_space<hbm>>) dst(%arg6 : memref<256xi32, #tpu.memory_space<vmem>>)
      tpu.yield
    }) : () -> ()
    %dma_start3A = arith.constant 0 : i32
    %dma_start3A_3 = tpu.memref_slice %arg3[%dma_start3A] : memref<8192xi32, #tpu.memory_space<hbm>> -> memref<8192xi32, #tpu.memory_space<hbm>>
    tpu.enqueue_indirect_dma source(%dma_start3A_3 : memref<8192xi32, #tpu.memory_space<hbm>>) target(%arg7 : memref<256xi32, #tpu.memory_space<vmem>>) offsets(%arg6 : memref<256xi32, #tpu.memory_space<vmem>>) semaphore(%arg9 : memref<!tpu.dma_semaphore, #tpu.memory_space<semaphore_mem>>)
    %dma_wait3A = arith.constant 0 : i32
    %dma_wait3A_4 = tpu.memref_slice %arg3[%dma_wait3A] : memref<8192xi32, #tpu.memory_space<hbm>> -> memref<8192xi32, #tpu.memory_space<hbm>>
    tpu.wait_indirect_dma semaphore(%arg9 : memref<!tpu.dma_semaphore, #tpu.memory_space<semaphore_mem>>) src(%dma_wait3A_4 : memref<8192xi32, #tpu.memory_space<hbm>>) dst(%arg7 : memref<256xi32, #tpu.memory_space<vmem>>)
    %dma_start3A_5 = arith.constant 0 : i32
    %dma_start3A_6 = arith.constant 0 : i32
    %dma_start3A_7 = tpu.memref_slice %arg4[%dma_start3A_5, %dma_start3A_6] : memref<512x128xf32, #tpu.memory_space<hbm>> -> memref<512x128xf32, #tpu.memory_space<hbm>>
    tpu.enqueue_indirect_dma source(%dma_start3A_7 : memref<512x128xf32, #tpu.memory_space<hbm>>) target(%arg8 : memref<256x128xf32, #tpu.memory_space<vmem>>) offsets(%arg7 : memref<256xi32, #tpu.memory_space<vmem>>) semaphore(%arg9 : memref<!tpu.dma_semaphore, #tpu.memory_space<semaphore_mem>>)
    %dma_wait3A_8 = arith.constant 0 : i32
    %dma_wait3A_9 = arith.constant 0 : i32
    %dma_wait3A_10 = tpu.memref_slice %arg4[%dma_wait3A_8, %dma_wait3A_9] : memref<512x128xf32, #tpu.memory_space<hbm>> -> memref<512x128xf32, #tpu.memory_space<hbm>>
    tpu.wait_indirect_dma semaphore(%arg9 : memref<!tpu.dma_semaphore, #tpu.memory_space<semaphore_mem>>) src(%dma_wait3A_10 : memref<512x128xf32, #tpu.memory_space<hbm>>) dst(%arg8 : memref<256x128xf32, #tpu.memory_space<vmem>>)
    "tpu.region"() ({
      %run_scoped3A = tpu.sem_alloc : memref<!tpu.dma_semaphore, #tpu.memory_space<semaphore_mem>>
      %dma_start3A_11 = arith.constant 0 : i32
      %dma_start3A_12 = tpu.memref_slice %arg5[%mul3A_2, %dma_start3A_11] : memref<8192x128xf32, #tpu.memory_space<hbm>> -> memref<256x128xf32, #tpu.memory_space<hbm>>
      %dma_start3A_13 = arith.constant 0 : i32
      %dma_start3A_14 = tpu.memref_slice %arg5[%mul3A_2, %dma_start3A_13] : memref<8192x128xf32, #tpu.memory_space<hbm>> -> memref<256x128xf32, #tpu.memory_space<hbm>>
      tpu.enqueue_dma source(%arg8 : memref<256x128xf32, #tpu.memory_space<vmem>>) target(%dma_start3A_14 : memref<256x128xf32, #tpu.memory_space<hbm>>) target_semaphore(%run_scoped3A : memref<!tpu.dma_semaphore, #tpu.memory_space<semaphore_mem>>)
      %dma_wait3A_15 = arith.constant 0 : i32
      %dma_wait3A_16 = tpu.memref_slice %arg5[%mul3A_2, %dma_wait3A_15] : memref<8192x128xf32, #tpu.memory_space<hbm>> -> memref<256x128xf32, #tpu.memory_space<hbm>>
      %dma_wait3A_17 = arith.constant 0 : i32
      %dma_wait3A_18 = tpu.memref_slice %arg5[%mul3A_2, %dma_wait3A_17] : memref<8192x128xf32, #tpu.memory_space<hbm>> -> memref<256x128xf32, #tpu.memory_space<hbm>>
      tpu.wait_dma2 semaphore(%run_scoped3A : memref<!tpu.dma_semaphore, #tpu.memory_space<semaphore_mem>>) src(%arg8 : memref<256x128xf32, #tpu.memory_space<vmem>>) dst(%dma_wait3A_18 : memref<256x128xf32, #tpu.memory_space<hbm>>)
      tpu.yield
    }) : () -> ()
    return
  }
}

module attributes {stable_mosaic.version = 14 : i64} {
  func.func @_tree_body(%arg0: i32, %arg1: memref<2048x128xf32, #tpu.memory_space<vmem>>, %arg2: memref<2048x128xf32, #tpu.memory_space<vmem>>, %arg3: memref<256x640xbf16, #tpu.memory_space<vmem>>, %arg4: memref<1x640xf32, #tpu.memory_space<vmem>>, %arg5: memref<256x128xbf16, #tpu.memory_space<vmem>>, %arg6: memref<1x128xf32, #tpu.memory_space<vmem>>, %arg7: memref<128x512xbf16, #tpu.memory_space<vmem>>, %arg8: memref<1x512xf32, #tpu.memory_space<vmem>>, %arg9: memref<128x128xbf16, #tpu.memory_space<vmem>>, %arg10: memref<1x128xf32, #tpu.memory_space<vmem>>, %arg11: memref<128x2xbf16, #tpu.memory_space<vmem>>, %arg12: memref<1x2xf32, #tpu.memory_space<vmem>>, %arg13: memref<16x2xf32, #tpu.memory_space<vmem>>, %arg14: memref<4096x128xf32, #tpu.memory_space<vmem>>, %arg15: memref<4096x128xf32, #tpu.memory_space<vmem>>, %arg16: memref<4096x128xf32, #tpu.memory_space<vmem>>) attributes {dimension_semantics = [#tpu.dimension_semantics<arbitrary>], iteration_bounds = array<i64: 3>, scalar_prefetch = 0 : i64, scratch_operands = 3 : i64, tpu.core_type = #tpu.core_type<tc>, window_params = [{transform_indices = @transform_0, window_bounds = array<i64: 2048, 128>}, {transform_indices = @transform_1, window_bounds = array<i64: 2048, 128>}, {pipeline_mode = #tpu.pipeline_mode<synchronous>, transform_indices = @transform_2, window_bounds = array<i64: 256, 640>}, {pipeline_mode = #tpu.pipeline_mode<synchronous>, transform_indices = @transform_3, window_bounds = array<i64: 1, 640>}, {pipeline_mode = #tpu.pipeline_mode<synchronous>, transform_indices = @transform_4, window_bounds = array<i64: 256, 128>}, {pipeline_mode = #tpu.pipeline_mode<synchronous>, transform_indices = @transform_5, window_bounds = array<i64: 1, 128>}, {pipeline_mode = #tpu.pipeline_mode<synchronous>, transform_indices = @transform_6, window_bounds = array<i64: 128, 512>}, {pipeline_mode = #tpu.pipeline_mode<synchronous>, transform_indices = @transform_7, window_bounds = array<i64: 1, 512>}, {pipeline_mode = #tpu.pipeline_mode<synchronous>, transform_indices = @transform_8, window_bounds = array<i64: 128, 128>}, {pipeline_mode = #tpu.pipeline_mode<synchronous>, transform_indices = @transform_9, window_bounds = array<i64: 1, 128>}, {pipeline_mode = #tpu.pipeline_mode<synchronous>, transform_indices = @transform_10, window_bounds = array<i64: 128, 2>}, {pipeline_mode = #tpu.pipeline_mode<synchronous>, transform_indices = @transform_11, window_bounds = array<i64: 1, 2>}, {pipeline_mode = #tpu.pipeline_mode<synchronous>, transform_indices = @transform_12, window_bounds = array<i64: 16, 2>}]} {
    %lt3A = arith.constant 2 : i32
    %lt3A_0 = arith.cmpi slt, %arg0, %lt3A : i32
    %convert_element_type3A = arith.extui %lt3A_0 : i1 to i32
    %cond3A = arith.constant 0 : i32
    %cond3A_1 = arith.cmpi ne, %convert_element_type3A, %cond3A : i32
    scf.if %cond3A_1 {
      %get3A = arith.constant 0 : index
      %get3A_6 = arith.constant 0 : index
      %get3A_7 = vector.load %arg1[%get3A, %get3A_6] : memref<2048x128xf32, #tpu.memory_space<vmem>>, vector<2048x128xf32>
      %convert_element_type3A_8 = arith.truncf %get3A_7 : vector<2048x128xf32> to vector<2048x128xbf16>
      %get3A_9 = arith.constant 0 : index
      %get3A_10 = arith.constant 0 : index
      %get3A_11 = vector.load %arg2[%get3A_9, %get3A_10] : memref<2048x128xf32, #tpu.memory_space<vmem>>, vector<2048x128xf32>
      %convert_element_type3A_12 = arith.truncf %get3A_11 : vector<2048x128xf32> to vector<2048x128xbf16>
      %get3A_13 = arith.constant 0 : index
      %get3A_14 = arith.constant 0 : index
      %get3A_15 = vector.load %arg3[%get3A_13, %get3A_14] : memref<256x640xbf16, #tpu.memory_space<vmem>>, vector<128x640xbf16>
      %dot_general3A = arith.constant dense<0.000000e+00> : vector<2048x640xf32>
      %dot_general3A_16 = tpu.matmul %convert_element_type3A_8, %get3A_15, %dot_general3A {dimension_numbers = #tpu.dot_dimension_numbers<[1], [0], [0], [1], [0, 0, 1, 1], [], []>, transpose_lhs_hint = false} : vector<2048x128xbf16>, vector<128x640xbf16>, vector<2048x640xf32> -> vector<2048x640xf32>
      %get3A_17 = arith.constant 128 : index
      %get3A_18 = arith.constant 0 : index
      %get3A_19 = vector.load %arg3[%get3A_17, %get3A_18] : memref<256x640xbf16, #tpu.memory_space<vmem>>, vector<128x640xbf16>
      %dot_general3A_20 = arith.constant dense<0.000000e+00> : vector<2048x640xf32>
      %dot_general3A_21 = tpu.matmul %convert_element_type3A_12, %get3A_19, %dot_general3A_20 {dimension_numbers = #tpu.dot_dimension_numbers<[1], [0], [0], [1], [0, 0, 1, 1], [], []>, transpose_lhs_hint = false} : vector<2048x128xbf16>, vector<128x640xbf16>, vector<2048x640xf32> -> vector<2048x640xf32>
      %add3A = arith.addf %dot_general3A_16, %dot_general3A_21 : vector<2048x640xf32>
      %get3A_22 = arith.constant 0 : index
      %get3A_23 = arith.constant 0 : index
      %get3A_24 = vector.load %arg4[%get3A_22, %get3A_23] : memref<1x640xf32, #tpu.memory_space<vmem>>, vector<1x640xf32>
      %add3A_25 = vector.broadcast %get3A_24 : vector<1x640xf32> to vector<2048x640xf32>
      %add3A_26 = arith.addf %add3A, %add3A_25 : vector<2048x640xf32>
      %slice3A = vector.extract_strided_slice %add3A_26 {offsets = [0, 0], sizes = [2048, 128], strides = [1, 1]} : vector<2048x640xf32> to vector<2048x128xf32>
      %tanh3A = math.tanh %slice3A : vector<2048x128xf32>
      %mul3A = arith.constant 5.000000e-01 : f32
      %mul3A_27 = vector.broadcast %mul3A : f32 to vector<2048x128xf32>
      %mul3A_28 = arith.mulf %mul3A_27, %tanh3A : vector<2048x128xf32>
      %add3A_29 = arith.constant 5.000000e-01 : f32
      %add3A_30 = vector.broadcast %add3A_29 : f32 to vector<2048x128xf32>
      %add3A_31 = arith.addf %mul3A_28, %add3A_30 : vector<2048x128xf32>
      %slice3A_32 = vector.extract_strided_slice %add3A_26 {offsets = [0, 384], sizes = [2048, 128], strides = [1, 1]} : vector<2048x640xf32> to vector<2048x128xf32>
      %tanh3A_33 = math.tanh %slice3A_32 : vector<2048x128xf32>
      %mul3A_34 = arith.constant 5.000000e-01 : f32
      %mul3A_35 = vector.broadcast %mul3A_34 : f32 to vector<2048x128xf32>
      %mul3A_36 = arith.mulf %mul3A_35, %tanh3A_33 : vector<2048x128xf32>
      %add3A_37 = arith.constant 5.000000e-01 : f32
      %add3A_38 = vector.broadcast %add3A_37 : f32 to vector<2048x128xf32>
      %add3A_39 = arith.addf %mul3A_36, %add3A_38 : vector<2048x128xf32>
      %slice3A_40 = vector.extract_strided_slice %add3A_26 {offsets = [0, 512], sizes = [2048, 128], strides = [1, 1]} : vector<2048x640xf32> to vector<2048x128xf32>
      %tanh3A_41 = math.tanh %slice3A_40 : vector<2048x128xf32>
      %mul3A_42 = arith.mulf %add3A_31, %tanh3A_41 : vector<2048x128xf32>
      %tanh3A_43 = math.tanh %mul3A_42 : vector<2048x128xf32>
      %mul3A_44 = arith.mulf %add3A_39, %tanh3A_43 : vector<2048x128xf32>
      %convert_element_type3A_45 = arith.truncf %mul3A_44 : vector<2048x128xf32> to vector<2048x128xbf16>
      %get3A_46 = arith.constant 0 : index
      %get3A_47 = arith.constant 0 : index
      %get3A_48 = vector.load %arg7[%get3A_46, %get3A_47] : memref<128x512xbf16, #tpu.memory_space<vmem>>, vector<128x512xbf16>
      %dot_general3A_49 = arith.constant dense<0.000000e+00> : vector<2048x512xf32>
      %dot_general3A_50 = tpu.matmul %convert_element_type3A_45, %get3A_48, %dot_general3A_49 {dimension_numbers = #tpu.dot_dimension_numbers<[1], [0], [0], [1], [0, 0, 1, 1], [], []>, transpose_lhs_hint = false} : vector<2048x128xbf16>, vector<128x512xbf16>, vector<2048x512xf32> -> vector<2048x512xf32>
      %get3A_51 = arith.constant 0 : index
      %get3A_52 = arith.constant 0 : index
      %get3A_53 = vector.load %arg8[%get3A_51, %get3A_52] : memref<1x512xf32, #tpu.memory_space<vmem>>, vector<1x512xf32>
      %add3A_54 = vector.broadcast %get3A_53 : vector<1x512xf32> to vector<2048x512xf32>
      %add3A_55 = arith.addf %dot_general3A_50, %add3A_54 : vector<2048x512xf32>
      %slice3A_56 = vector.extract_strided_slice %add3A_55 {offsets = [0, 0], sizes = [2048, 128], strides = [1, 1]} : vector<2048x512xf32> to vector<2048x128xf32>
      %tanh3A_57 = math.tanh %slice3A_56 : vector<2048x128xf32>
      %mul3A_58 = arith.constant 5.000000e-01 : f32
      %mul3A_59 = vector.broadcast %mul3A_58 : f32 to vector<2048x128xf32>
      %mul3A_60 = arith.mulf %mul3A_59, %tanh3A_57 : vector<2048x128xf32>
      %add3A_61 = arith.constant 5.000000e-01 : f32
      %add3A_62 = vector.broadcast %add3A_61 : f32 to vector<2048x128xf32>
      %add3A_63 = arith.addf %mul3A_60, %add3A_62 : vector<2048x128xf32>
      %slice3A_64 = vector.extract_strided_slice %add3A_55 {offsets = [0, 128], sizes = [2048, 128], strides = [1, 1]} : vector<2048x512xf32> to vector<2048x128xf32>
      %tanh3A_65 = math.tanh %slice3A_64 : vector<2048x128xf32>
      %mul3A_66 = arith.constant 5.000000e-01 : f32
      %mul3A_67 = vector.broadcast %mul3A_66 : f32 to vector<2048x128xf32>
      %mul3A_68 = arith.mulf %mul3A_67, %tanh3A_65 : vector<2048x128xf32>
      %add3A_69 = arith.constant 5.000000e-01 : f32
      %add3A_70 = vector.broadcast %add3A_69 : f32 to vector<2048x128xf32>
      %add3A_71 = arith.addf %mul3A_68, %add3A_70 : vector<2048x128xf32>
      %slice3A_72 = vector.extract_strided_slice %add3A_55 {offsets = [0, 256], sizes = [2048, 128], strides = [1, 1]} : vector<2048x512xf32> to vector<2048x128xf32>
      %tanh3A_73 = math.tanh %slice3A_72 : vector<2048x128xf32>
      %mul3A_74 = arith.constant 5.000000e-01 : f32
      %mul3A_75 = vector.broadcast %mul3A_74 : f32 to vector<2048x128xf32>
      %mul3A_76 = arith.mulf %mul3A_75, %tanh3A_73 : vector<2048x128xf32>
      %add3A_77 = arith.constant 5.000000e-01 : f32
      %add3A_78 = vector.broadcast %add3A_77 : f32 to vector<2048x128xf32>
      %add3A_79 = arith.addf %mul3A_76, %add3A_78 : vector<2048x128xf32>
      %slice3A_80 = vector.extract_strided_slice %add3A_55 {offsets = [0, 384], sizes = [2048, 128], strides = [1, 1]} : vector<2048x512xf32> to vector<2048x128xf32>
      %tanh3A_81 = math.tanh %slice3A_80 : vector<2048x128xf32>
      %mul3A_82 = arith.mulf %add3A_63, %tanh3A_81 : vector<2048x128xf32>
      %mul3A_83 = arith.mulf %add3A_71, %mul3A_42 : vector<2048x128xf32>
      %add3A_84 = arith.addf %mul3A_82, %mul3A_83 : vector<2048x128xf32>
      %tanh3A_85 = math.tanh %add3A_84 : vector<2048x128xf32>
      %mul3A_86 = arith.mulf %add3A_79, %tanh3A_85 : vector<2048x128xf32>
      %get3A_87 = arith.constant 0 : index
      %get3A_88 = arith.constant 0 : index
      %get3A_89 = vector.load %arg9[%get3A_87, %get3A_88] : memref<128x128xbf16, #tpu.memory_space<vmem>>, vector<128x128xbf16>
      %dot_general3A_90 = arith.constant dense<0.000000e+00> : vector<2048x128xf32>
      %dot_general3A_91 = tpu.matmul %convert_element_type3A_45, %get3A_89, %dot_general3A_90 {dimension_numbers = #tpu.dot_dimension_numbers<[1], [0], [0], [1], [0, 0, 1, 1], [], []>, transpose_lhs_hint = false} : vector<2048x128xbf16>, vector<128x128xbf16>, vector<2048x128xf32> -> vector<2048x128xf32>
      %get3A_92 = arith.constant 0 : index
      %get3A_93 = arith.constant 0 : index
      %get3A_94 = vector.load %arg10[%get3A_92, %get3A_93] : memref<1x128xf32, #tpu.memory_space<vmem>>, vector<1x128xf32>
      %add3A_95 = vector.broadcast %get3A_94 : vector<1x128xf32> to vector<2048x128xf32>
      %add3A_96 = arith.addf %dot_general3A_91, %add3A_95 : vector<2048x128xf32>
      %tanh3A_97 = math.tanh %add3A_96 : vector<2048x128xf32>
      %mul3A_98 = arith.constant 5.000000e-01 : f32
      %mul3A_99 = vector.broadcast %mul3A_98 : f32 to vector<2048x128xf32>
      %mul3A_100 = arith.mulf %mul3A_99, %tanh3A_97 : vector<2048x128xf32>
      %add3A_101 = arith.constant 5.000000e-01 : f32
      %add3A_102 = vector.broadcast %add3A_101 : f32 to vector<2048x128xf32>
      %add3A_103 = arith.addf %mul3A_100, %add3A_102 : vector<2048x128xf32>
      %mul3A_104 = arith.mulf %add3A_103, %mul3A_42 : vector<2048x128xf32>
      %mul3A_105 = arith.constant 2048 : i32
      %mul3A_106 = arith.muli %arg0, %mul3A_105 : i32
      %swap3A = arith.index_cast %mul3A_106 : i32 to index
      %swap3A_107 = arith.constant 0 : index
      %swap3A_108 = vector.load %arg14[%swap3A, %swap3A_107] : memref<4096x128xf32, #tpu.memory_space<vmem>>, vector<2048x128xf32>
      tpu.vector_store %arg14[%swap3A, %swap3A_107], %mul3A_86 {strides = array<i32>} : memref<4096x128xf32, #tpu.memory_space<vmem>>, vector<2048x128xf32>,
      %swap3A_109 = arith.index_cast %mul3A_106 : i32 to index
      %swap3A_110 = arith.constant 0 : index
      %swap3A_111 = vector.load %arg15[%swap3A_109, %swap3A_110] : memref<4096x128xf32, #tpu.memory_space<vmem>>, vector<2048x128xf32>
      tpu.vector_store %arg15[%swap3A_109, %swap3A_110], %add3A_84 {strides = array<i32>} : memref<4096x128xf32, #tpu.memory_space<vmem>>, vector<2048x128xf32>,
      %swap3A_112 = arith.index_cast %mul3A_106 : i32 to index
      %swap3A_113 = arith.constant 0 : index
      %swap3A_114 = vector.load %arg16[%swap3A_112, %swap3A_113] : memref<4096x128xf32, #tpu.memory_space<vmem>>, vector<2048x128xf32>
      tpu.vector_store %arg16[%swap3A_112, %swap3A_113], %mul3A_104 {strides = array<i32>} : memref<4096x128xf32, #tpu.memory_space<vmem>>, vector<2048x128xf32>,
    } else {
    }
    %eq3A = arith.constant 2 : i32
    %eq3A_2 = arith.cmpi eq, %arg0, %eq3A : i32
    %convert_element_type3A_3 = arith.extui %eq3A_2 : i1 to i32
    %cond3A_4 = arith.constant 0 : i32
    %cond3A_5 = arith.cmpi ne, %convert_element_type3A_3, %cond3A_4 : i32
    scf.if %cond3A_5 {
      %get3A = arith.constant 0 : index
      %get3A_6 = arith.constant 0 : index
      %get3A_7 = vector.load %arg14[%get3A, %get3A_6] : memref<4096x128xf32, #tpu.memory_space<vmem>>, vector<4096x128xf32>
      %get3A_8 = arith.constant 0 : index
      %get3A_9 = arith.constant 0 : index
      %get3A_10 = vector.load %arg15[%get3A_8, %get3A_9] : memref<4096x128xf32, #tpu.memory_space<vmem>>, vector<4096x128xf32>
      %slice3A = vector.extract_strided_slice %get3A_7 {offsets = [0, 0], sizes = [2048, 128], strides = [1, 1]} : vector<4096x128xf32> to vector<2048x128xf32>
      %convert_element_type3A_11 = arith.truncf %slice3A : vector<2048x128xf32> to vector<2048x128xbf16>
      %slice3A_12 = vector.extract_strided_slice %get3A_7 {offsets = [2048, 0], sizes = [2048, 128], strides = [1, 1]} : vector<4096x128xf32> to vector<2048x128xf32>
      %convert_element_type3A_13 = arith.truncf %slice3A_12 : vector<2048x128xf32> to vector<2048x128xbf16>
      %slice3A_14 = vector.extract_strided_slice %get3A_10 {offsets = [0, 0], sizes = [2048, 128], strides = [1, 1]} : vector<4096x128xf32> to vector<2048x128xf32>
      %slice3A_15 = vector.extract_strided_slice %get3A_10 {offsets = [2048, 0], sizes = [2048, 128], strides = [1, 1]} : vector<4096x128xf32> to vector<2048x128xf32>
      %get3A_16 = arith.constant 0 : index
      %get3A_17 = arith.constant 0 : index
      %get3A_18 = vector.load %arg3[%get3A_16, %get3A_17] : memref<256x640xbf16, #tpu.memory_space<vmem>>, vector<128x640xbf16>
      %dot_general3A = arith.constant dense<0.000000e+00> : vector<2048x640xf32>
      %dot_general3A_19 = tpu.matmul %convert_element_type3A_11, %get3A_18, %dot_general3A {dimension_numbers = #tpu.dot_dimension_numbers<[1], [0], [0], [1], [0, 0, 1, 1], [], []>, transpose_lhs_hint = false} : vector<2048x128xbf16>, vector<128x640xbf16>, vector<2048x640xf32> -> vector<2048x640xf32>
      %get3A_20 = arith.constant 128 : index
      %get3A_21 = arith.constant 0 : index
      %get3A_22 = vector.load %arg3[%get3A_20, %get3A_21] : memref<256x640xbf16, #tpu.memory_space<vmem>>, vector<128x640xbf16>
      %dot_general3A_23 = arith.constant dense<0.000000e+00> : vector<2048x640xf32>
      %dot_general3A_24 = tpu.matmul %convert_element_type3A_13, %get3A_22, %dot_general3A_23 {dimension_numbers = #tpu.dot_dimension_numbers<[1], [0], [0], [1], [0, 0, 1, 1], [], []>, transpose_lhs_hint = false} : vector<2048x128xbf16>, vector<128x640xbf16>, vector<2048x640xf32> -> vector<2048x640xf32>
      %add3A = arith.addf %dot_general3A_19, %dot_general3A_24 : vector<2048x640xf32>
      %get3A_25 = arith.constant 0 : index
      %get3A_26 = arith.constant 0 : index
      %get3A_27 = vector.load %arg4[%get3A_25, %get3A_26] : memref<1x640xf32, #tpu.memory_space<vmem>>, vector<1x640xf32>
      %add3A_28 = vector.broadcast %get3A_27 : vector<1x640xf32> to vector<2048x640xf32>
      %add3A_29 = arith.addf %add3A, %add3A_28 : vector<2048x640xf32>
      %slice3A_30 = vector.extract_strided_slice %add3A_29 {offsets = [0, 0], sizes = [2048, 128], strides = [1, 1]} : vector<2048x640xf32> to vector<2048x128xf32>
      %tanh3A = math.tanh %slice3A_30 : vector<2048x128xf32>
      %mul3A = arith.constant 5.000000e-01 : f32
      %mul3A_31 = vector.broadcast %mul3A : f32 to vector<2048x128xf32>
      %mul3A_32 = arith.mulf %mul3A_31, %tanh3A : vector<2048x128xf32>
      %add3A_33 = arith.constant 5.000000e-01 : f32
      %add3A_34 = vector.broadcast %add3A_33 : f32 to vector<2048x128xf32>
      %add3A_35 = arith.addf %mul3A_32, %add3A_34 : vector<2048x128xf32>
      %slice3A_36 = vector.extract_strided_slice %add3A_29 {offsets = [0, 128], sizes = [2048, 128], strides = [1, 1]} : vector<2048x640xf32> to vector<2048x128xf32>
      %tanh3A_37 = math.tanh %slice3A_36 : vector<2048x128xf32>
      %mul3A_38 = arith.constant 5.000000e-01 : f32
      %mul3A_39 = vector.broadcast %mul3A_38 : f32 to vector<2048x128xf32>
      %mul3A_40 = arith.mulf %mul3A_39, %tanh3A_37 : vector<2048x128xf32>
      %add3A_41 = arith.constant 5.000000e-01 : f32
      %add3A_42 = vector.broadcast %add3A_41 : f32 to vector<2048x128xf32>
      %add3A_43 = arith.addf %mul3A_40, %add3A_42 : vector<2048x128xf32>
      %slice3A_44 = vector.extract_strided_slice %add3A_29 {offsets = [0, 256], sizes = [2048, 128], strides = [1, 1]} : vector<2048x640xf32> to vector<2048x128xf32>
      %tanh3A_45 = math.tanh %slice3A_44 : vector<2048x128xf32>
      %mul3A_46 = arith.constant 5.000000e-01 : f32
      %mul3A_47 = vector.broadcast %mul3A_46 : f32 to vector<2048x128xf32>
      %mul3A_48 = arith.mulf %mul3A_47, %tanh3A_45 : vector<2048x128xf32>
      %add3A_49 = arith.constant 5.000000e-01 : f32
      %add3A_50 = vector.broadcast %add3A_49 : f32 to vector<2048x128xf32>
      %add3A_51 = arith.addf %mul3A_48, %add3A_50 : vector<2048x128xf32>
      %slice3A_52 = vector.extract_strided_slice %add3A_29 {offsets = [0, 384], sizes = [2048, 128], strides = [1, 1]} : vector<2048x640xf32> to vector<2048x128xf32>
      %tanh3A_53 = math.tanh %slice3A_52 : vector<2048x128xf32>
      %mul3A_54 = arith.constant 5.000000e-01 : f32
      %mul3A_55 = vector.broadcast %mul3A_54 : f32 to vector<2048x128xf32>
      %mul3A_56 = arith.mulf %mul3A_55, %tanh3A_53 : vector<2048x128xf32>
      %add3A_57 = arith.constant 5.000000e-01 : f32
      %add3A_58 = vector.broadcast %add3A_57 : f32 to vector<2048x128xf32>
      %add3A_59 = arith.addf %mul3A_56, %add3A_58 : vector<2048x128xf32>
      %slice3A_60 = vector.extract_strided_slice %add3A_29 {offsets = [0, 512], sizes = [2048, 128], strides = [1, 1]} : vector<2048x640xf32> to vector<2048x128xf32>
      %tanh3A_61 = math.tanh %slice3A_60 : vector<2048x128xf32>
      %mul3A_62 = arith.mulf %add3A_35, %tanh3A_61 : vector<2048x128xf32>
      %mul3A_63 = arith.mulf %add3A_43, %slice3A_14 : vector<2048x128xf32>
      %add3A_64 = arith.addf %mul3A_62, %mul3A_63 : vector<2048x128xf32>
      %mul3A_65 = arith.mulf %add3A_51, %slice3A_15 : vector<2048x128xf32>
      %add3A_66 = arith.addf %add3A_64, %mul3A_65 : vector<2048x128xf32>
      %tanh3A_67 = math.tanh %add3A_66 : vector<2048x128xf32>
      %mul3A_68 = arith.mulf %add3A_59, %tanh3A_67 : vector<2048x128xf32>
      %convert_element_type3A_69 = arith.truncf %mul3A_68 : vector<2048x128xf32> to vector<2048x128xbf16>
      %get3A_70 = arith.constant 0 : index
      %get3A_71 = arith.constant 0 : index
      %get3A_72 = vector.load %arg7[%get3A_70, %get3A_71] : memref<128x512xbf16, #tpu.memory_space<vmem>>, vector<128x512xbf16>
      %dot_general3A_73 = arith.constant dense<0.000000e+00> : vector<2048x512xf32>
      %dot_general3A_74 = tpu.matmul %convert_element_type3A_69, %get3A_72, %dot_general3A_73 {dimension_numbers = #tpu.dot_dimension_numbers<[1], [0], [0], [1], [0, 0, 1, 1], [], []>, transpose_lhs_hint = false} : vector<2048x128xbf16>, vector<128x512xbf16>, vector<2048x512xf32> -> vector<2048x512xf32>
      %get3A_75 = arith.constant 0 : index
      %get3A_76 = arith.constant 0 : index
      %get3A_77 = vector.load %arg8[%get3A_75, %get3A_76] : memref<1x512xf32, #tpu.memory_space<vmem>>, vector<1x512xf32>
      %add3A_78 = vector.broadcast %get3A_77 : vector<1x512xf32> to vector<2048x512xf32>
      %add3A_79 = arith.addf %dot_general3A_74, %add3A_78 : vector<2048x512xf32>
      %slice3A_80 = vector.extract_strided_slice %add3A_79 {offsets = [0, 0], sizes = [2048, 128], strides = [1, 1]} : vector<2048x512xf32> to vector<2048x128xf32>
      %tanh3A_81 = math.tanh %slice3A_80 : vector<2048x128xf32>
      %mul3A_82 = arith.constant 5.000000e-01 : f32
      %mul3A_83 = vector.broadcast %mul3A_82 : f32 to vector<2048x128xf32>
      %mul3A_84 = arith.mulf %mul3A_83, %tanh3A_81 : vector<2048x128xf32>
      %add3A_85 = arith.constant 5.000000e-01 : f32
      %add3A_86 = vector.broadcast %add3A_85 : f32 to vector<2048x128xf32>
      %add3A_87 = arith.addf %mul3A_84, %add3A_86 : vector<2048x128xf32>
      %slice3A_88 = vector.extract_strided_slice %add3A_79 {offsets = [0, 128], sizes = [2048, 128], strides = [1, 1]} : vector<2048x512xf32> to vector<2048x128xf32>
      %tanh3A_89 = math.tanh %slice3A_88 : vector<2048x128xf32>
      %mul3A_90 = arith.constant 5.000000e-01 : f32
      %mul3A_91 = vector.broadcast %mul3A_90 : f32 to vector<2048x128xf32>
      %mul3A_92 = arith.mulf %mul3A_91, %tanh3A_89 : vector<2048x128xf32>
      %add3A_93 = arith.constant 5.000000e-01 : f32
      %add3A_94 = vector.broadcast %add3A_93 : f32 to vector<2048x128xf32>
      %add3A_95 = arith.addf %mul3A_92, %add3A_94 : vector<2048x128xf32>
      %slice3A_96 = vector.extract_strided_slice %add3A_79 {offsets = [0, 256], sizes = [2048, 128], strides = [1, 1]} : vector<2048x512xf32> to vector<2048x128xf32>
      %tanh3A_97 = math.tanh %slice3A_96 : vector<2048x128xf32>
      %mul3A_98 = arith.constant 5.000000e-01 : f32
      %mul3A_99 = vector.broadcast %mul3A_98 : f32 to vector<2048x128xf32>
      %mul3A_100 = arith.mulf %mul3A_99, %tanh3A_97 : vector<2048x128xf32>
      %add3A_101 = arith.constant 5.000000e-01 : f32
      %add3A_102 = vector.broadcast %add3A_101 : f32 to vector<2048x128xf32>
      %add3A_103 = arith.addf %mul3A_100, %add3A_102 : vector<2048x128xf32>
      %slice3A_104 = vector.extract_strided_slice %add3A_79 {offsets = [0, 384], sizes = [2048, 128], strides = [1, 1]} : vector<2048x512xf32> to vector<2048x128xf32>
      %tanh3A_105 = math.tanh %slice3A_104 : vector<2048x128xf32>
      %mul3A_106 = arith.mulf %add3A_87, %tanh3A_105 : vector<2048x128xf32>
      %mul3A_107 = arith.mulf %add3A_95, %add3A_66 : vector<2048x128xf32>
      %add3A_108 = arith.addf %mul3A_106, %mul3A_107 : vector<2048x128xf32>
      %tanh3A_109 = math.tanh %add3A_108 : vector<2048x128xf32>
      %mul3A_110 = arith.mulf %add3A_103, %tanh3A_109 : vector<2048x128xf32>
      %slice3A_111 = vector.extract_strided_slice %mul3A_110 {offsets = [0, 0], sizes = [1024, 128], strides = [1, 1]} : vector<2048x128xf32> to vector<1024x128xf32>
      %convert_element_type3A_112 = arith.truncf %slice3A_111 : vector<1024x128xf32> to vector<1024x128xbf16>
      %slice3A_113 = vector.extract_strided_slice %mul3A_110 {offsets = [1024, 0], sizes = [1024, 128], strides = [1, 1]} : vector<2048x128xf32> to vector<1024x128xf32>
      %convert_element_type3A_114 = arith.truncf %slice3A_113 : vector<1024x128xf32> to vector<1024x128xbf16>
      %slice3A_115 = vector.extract_strided_slice %add3A_108 {offsets = [0, 0], sizes = [1024, 128], strides = [1, 1]} : vector<2048x128xf32> to vector<1024x128xf32>
      %slice3A_116 = vector.extract_strided_slice %add3A_108 {offsets = [1024, 0], sizes = [1024, 128], strides = [1, 1]} : vector<2048x128xf32> to vector<1024x128xf32>
      %get3A_117 = arith.constant 0 : index
      %get3A_118 = arith.constant 0 : index
      %get3A_119 = vector.load %arg3[%get3A_117, %get3A_118] : memref<256x640xbf16, #tpu.memory_space<vmem>>, vector<128x640xbf16>
      %dot_general3A_120 = arith.constant dense<0.000000e+00> : vector<1024x640xf32>
      %dot_general3A_121 = tpu.matmul %convert_element_type3A_112, %get3A_119, %dot_general3A_120 {dimension_numbers = #tpu.dot_dimension_numbers<[1], [0], [0], [1], [0, 0, 1, 1], [], []>, transpose_lhs_hint = false} : vector<1024x128xbf16>, vector<128x640xbf16>, vector<1024x640xf32> -> vector<1024x640xf32>
      %get3A_122 = arith.constant 128 : index
      %get3A_123 = arith.constant 0 : index
      %get3A_124 = vector.load %arg3[%get3A_122, %get3A_123] : memref<256x640xbf16, #tpu.memory_space<vmem>>, vector<128x640xbf16>
      %dot_general3A_125 = arith.constant dense<0.000000e+00> : vector<1024x640xf32>
      %dot_general3A_126 = tpu.matmul %convert_element_type3A_114, %get3A_124, %dot_general3A_125 {dimension_numbers = #tpu.dot_dimension_numbers<[1], [0], [0], [1], [0, 0, 1, 1], [], []>, transpose_lhs_hint = false} : vector<1024x128xbf16>, vector<128x640xbf16>, vector<1024x640xf32> -> vector<1024x640xf32>
      %add3A_127 = arith.addf %dot_general3A_121, %dot_general3A_126 : vector<1024x640xf32>
      %get3A_128 = arith.constant 0 : index
      %get3A_129 = arith.constant 0 : index
      %get3A_130 = vector.load %arg4[%get3A_128, %get3A_129] : memref<1x640xf32, #tpu.memory_space<vmem>>, vector<1x640xf32>
      %add3A_131 = vector.broadcast %get3A_130 : vector<1x640xf32> to vector<1024x640xf32>
      %add3A_132 = arith.addf %add3A_127, %add3A_131 : vector<1024x640xf32>
      %slice3A_133 = vector.extract_strided_slice %add3A_132 {offsets = [0, 0], sizes = [1024, 128], strides = [1, 1]} : vector<1024x640xf32> to vector<1024x128xf32>
      %tanh3A_134 = math.tanh %slice3A_133 : vector<1024x128xf32>
      %mul3A_135 = arith.constant 5.000000e-01 : f32
      %mul3A_136 = vector.broadcast %mul3A_135 : f32 to vector<1024x128xf32>
      %mul3A_137 = arith.mulf %mul3A_136, %tanh3A_134 : vector<1024x128xf32>
      %add3A_138 = arith.constant 5.000000e-01 : f32
      %add3A_139 = vector.broadcast %add3A_138 : f32 to vector<1024x128xf32>
      %add3A_140 = arith.addf %mul3A_137, %add3A_139 : vector<1024x128xf32>
      %slice3A_141 = vector.extract_strided_slice %add3A_132 {offsets = [0, 128], sizes = [1024, 128], strides = [1, 1]} : vector<1024x640xf32> to vector<1024x128xf32>
      %tanh3A_142 = math.tanh %slice3A_141 : vector<1024x128xf32>
      %mul3A_143 = arith.constant 5.000000e-01 : f32
      %mul3A_144 = vector.broadcast %mul3A_143 : f32 to vector<1024x128xf32>
      %mul3A_145 = arith.mulf %mul3A_144, %tanh3A_142 : vector<1024x128xf32>
      %add3A_146 = arith.constant 5.000000e-01 : f32
      %add3A_147 = vector.broadcast %add3A_146 : f32 to vector<1024x128xf32>
      %add3A_148 = arith.addf %mul3A_145, %add3A_147 : vector<1024x128xf32>
      %slice3A_149 = vector.extract_strided_slice %add3A_132 {offsets = [0, 256], sizes = [1024, 128], strides = [1, 1]} : vector<1024x640xf32> to vector<1024x128xf32>
      %tanh3A_150 = math.tanh %slice3A_149 : vector<1024x128xf32>
      %mul3A_151 = arith.constant 5.000000e-01 : f32
      %mul3A_152 = vector.broadcast %mul3A_151 : f32 to vector<1024x128xf32>
      %mul3A_153 = arith.mulf %mul3A_152, %tanh3A_150 : vector<1024x128xf32>
      %add3A_154 = arith.constant 5.000000e-01 : f32
      %add3A_155 = vector.broadcast %add3A_154 : f32 to vector<1024x128xf32>
      %add3A_156 = arith.addf %mul3A_153, %add3A_155 : vector<1024x128xf32>
      %slice3A_157 = vector.extract_strided_slice %add3A_132 {offsets = [0, 384], sizes = [1024, 128], strides = [1, 1]} : vector<1024x640xf32> to vector<1024x128xf32>
      %tanh3A_158 = math.tanh %slice3A_157 : vector<1024x128xf32>
      %mul3A_159 = arith.constant 5.000000e-01 : f32
      %mul3A_160 = vector.broadcast %mul3A_159 : f32 to vector<1024x128xf32>
      %mul3A_161 = arith.mulf %mul3A_160, %tanh3A_158 : vector<1024x128xf32>
      %add3A_162 = arith.constant 5.000000e-01 : f32
      %add3A_163 = vector.broadcast %add3A_162 : f32 to vector<1024x128xf32>
      %add3A_164 = arith.addf %mul3A_161, %add3A_163 : vector<1024x128xf32>
      %slice3A_165 = vector.extract_strided_slice %add3A_132 {offsets = [0, 512], sizes = [1024, 128], strides = [1, 1]} : vector<1024x640xf32> to vector<1024x128xf32>
      %tanh3A_166 = math.tanh %slice3A_165 : vector<1024x128xf32>
      %mul3A_167 = arith.mulf %add3A_140, %tanh3A_166 : vector<1024x128xf32>
      %mul3A_168 = arith.mulf %add3A_148, %slice3A_115 : vector<1024x128xf32>
      %add3A_169 = arith.addf %mul3A_167, %mul3A_168 : vector<1024x128xf32>
      %mul3A_170 = arith.mulf %add3A_156, %slice3A_116 : vector<1024x128xf32>
      %add3A_171 = arith.addf %add3A_169, %mul3A_170 : vector<1024x128xf32>
      %tanh3A_172 = math.tanh %add3A_171 : vector<1024x128xf32>
      %mul3A_173 = arith.mulf %add3A_164, %tanh3A_172 : vector<1024x128xf32>
      %convert_element_type3A_174 = arith.truncf %mul3A_173 : vector<1024x128xf32> to vector<1024x128xbf16>
      %get3A_175 = arith.constant 0 : index
      %get3A_176 = arith.constant 0 : index
      %get3A_177 = vector.load %arg7[%get3A_175, %get3A_176] : memref<128x512xbf16, #tpu.memory_space<vmem>>, vector<128x512xbf16>
      %dot_general3A_178 = arith.constant dense<0.000000e+00> : vector<1024x512xf32>
      %dot_general3A_179 = tpu.matmul %convert_element_type3A_174, %get3A_177, %dot_general3A_178 {dimension_numbers = #tpu.dot_dimension_numbers<[1], [0], [0], [1], [0, 0, 1, 1], [], []>, transpose_lhs_hint = false} : vector<1024x128xbf16>, vector<128x512xbf16>, vector<1024x512xf32> -> vector<1024x512xf32>
      %get3A_180 = arith.constant 0 : index
      %get3A_181 = arith.constant 0 : index
      %get3A_182 = vector.load %arg8[%get3A_180, %get3A_181] : memref<1x512xf32, #tpu.memory_space<vmem>>, vector<1x512xf32>
      %add3A_183 = vector.broadcast %get3A_182 : vector<1x512xf32> to vector<1024x512xf32>
      %add3A_184 = arith.addf %dot_general3A_179, %add3A_183 : vector<1024x512xf32>
      %slice3A_185 = vector.extract_strided_slice %add3A_184 {offsets = [0, 0], sizes = [1024, 128], strides = [1, 1]} : vector<1024x512xf32> to vector<1024x128xf32>
      %tanh3A_186 = math.tanh %slice3A_185 : vector<1024x128xf32>
      %mul3A_187 = arith.constant 5.000000e-01 : f32
      %mul3A_188 = vector.broadcast %mul3A_187 : f32 to vector<1024x128xf32>
      %mul3A_189 = arith.mulf %mul3A_188, %tanh3A_186 : vector<1024x128xf32>
      %add3A_190 = arith.constant 5.000000e-01 : f32
      %add3A_191 = vector.broadcast %add3A_190 : f32 to vector<1024x128xf32>
      %add3A_192 = arith.addf %mul3A_189, %add3A_191 : vector<1024x128xf32>
      %slice3A_193 = vector.extract_strided_slice %add3A_184 {offsets = [0, 128], sizes = [1024, 128], strides = [1, 1]} : vector<1024x512xf32> to vector<1024x128xf32>
      %tanh3A_194 = math.tanh %slice3A_193 : vector<1024x128xf32>
      %mul3A_195 = arith.constant 5.000000e-01 : f32
      %mul3A_196 = vector.broadcast %mul3A_195 : f32 to vector<1024x128xf32>
      %mul3A_197 = arith.mulf %mul3A_196, %tanh3A_194 : vector<1024x128xf32>
      %add3A_198 = arith.constant 5.000000e-01 : f32
      %add3A_199 = vector.broadcast %add3A_198 : f32 to vector<1024x128xf32>
      %add3A_200 = arith.addf %mul3A_197, %add3A_199 : vector<1024x128xf32>
      %slice3A_201 = vector.extract_strided_slice %add3A_184 {offsets = [0, 256], sizes = [1024, 128], strides = [1, 1]} : vector<1024x512xf32> to vector<1024x128xf32>
      %tanh3A_202 = math.tanh %slice3A_201 : vector<1024x128xf32>
      %mul3A_203 = arith.constant 5.000000e-01 : f32
      %mul3A_204 = vector.broadcast %mul3A_203 : f32 to vector<1024x128xf32>
      %mul3A_205 = arith.mulf %mul3A_204, %tanh3A_202 : vector<1024x128xf32>
      %add3A_206 = arith.constant 5.000000e-01 : f32
      %add3A_207 = vector.broadcast %add3A_206 : f32 to vector<1024x128xf32>
      %add3A_208 = arith.addf %mul3A_205, %add3A_207 : vector<1024x128xf32>
      %slice3A_209 = vector.extract_strided_slice %add3A_184 {offsets = [0, 384], sizes = [1024, 128], strides = [1, 1]} : vector<1024x512xf32> to vector<1024x128xf32>
      %tanh3A_210 = math.tanh %slice3A_209 : vector<1024x128xf32>
      %mul3A_211 = arith.mulf %add3A_192, %tanh3A_210 : vector<1024x128xf32>
      %mul3A_212 = arith.mulf %add3A_200, %add3A_171 : vector<1024x128xf32>
      %add3A_213 = arith.addf %mul3A_211, %mul3A_212 : vector<1024x128xf32>
      %tanh3A_214 = math.tanh %add3A_213 : vector<1024x128xf32>
      %mul3A_215 = arith.mulf %add3A_208, %tanh3A_214 : vector<1024x128xf32>
      %slice3A_216 = vector.extract_strided_slice %mul3A_215 {offsets = [0, 0], sizes = [512, 128], strides = [1, 1]} : vector<1024x128xf32> to vector<512x128xf32>
      %convert_element_type3A_217 = arith.truncf %slice3A_216 : vector<512x128xf32> to vector<512x128xbf16>
      %slice3A_218 = vector.extract_strided_slice %mul3A_215 {offsets = [512, 0], sizes = [512, 128], strides = [1, 1]} : vector<1024x128xf32> to vector<512x128xf32>
      %convert_element_type3A_219 = arith.truncf %slice3A_218 : vector<512x128xf32> to vector<512x128xbf16>
      %slice3A_220 = vector.extract_strided_slice %add3A_213 {offsets = [0, 0], sizes = [512, 128], strides = [1, 1]} : vector<1024x128xf32> to vector<512x128xf32>
      %slice3A_221 = vector.extract_strided_slice %add3A_213 {offsets = [512, 0], sizes = [512, 128], strides = [1, 1]} : vector<1024x128xf32> to vector<512x128xf32>
      %get3A_222 = arith.constant 0 : index
      %get3A_223 = arith.constant 0 : index
      %get3A_224 = vector.load %arg3[%get3A_222, %get3A_223] : memref<256x640xbf16, #tpu.memory_space<vmem>>, vector<128x640xbf16>
      %dot_general3A_225 = arith.constant dense<0.000000e+00> : vector<512x640xf32>
      %dot_general3A_226 = tpu.matmul %convert_element_type3A_217, %get3A_224, %dot_general3A_225 {dimension_numbers = #tpu.dot_dimension_numbers<[1], [0], [0], [1], [0, 0, 1, 1], [], []>, transpose_lhs_hint = false} : vector<512x128xbf16>, vector<128x640xbf16>, vector<512x640xf32> -> vector<512x640xf32>
      %get3A_227 = arith.constant 128 : index
      %get3A_228 = arith.constant 0 : index
      %get3A_229 = vector.load %arg3[%get3A_227, %get3A_228] : memref<256x640xbf16, #tpu.memory_space<vmem>>, vector<128x640xbf16>
      %dot_general3A_230 = arith.constant dense<0.000000e+00> : vector<512x640xf32>
      %dot_general3A_231 = tpu.matmul %convert_element_type3A_219, %get3A_229, %dot_general3A_230 {dimension_numbers = #tpu.dot_dimension_numbers<[1], [0], [0], [1], [0, 0, 1, 1], [], []>, transpose_lhs_hint = false} : vector<512x128xbf16>, vector<128x640xbf16>, vector<512x640xf32> -> vector<512x640xf32>
      %add3A_232 = arith.addf %dot_general3A_226, %dot_general3A_231 : vector<512x640xf32>
      %get3A_233 = arith.constant 0 : index
      %get3A_234 = arith.constant 0 : index
      %get3A_235 = vector.load %arg4[%get3A_233, %get3A_234] : memref<1x640xf32, #tpu.memory_space<vmem>>, vector<1x640xf32>
      %add3A_236 = vector.broadcast %get3A_235 : vector<1x640xf32> to vector<512x640xf32>
      %add3A_237 = arith.addf %add3A_232, %add3A_236 : vector<512x640xf32>
      %slice3A_238 = vector.extract_strided_slice %add3A_237 {offsets = [0, 0], sizes = [512, 128], strides = [1, 1]} : vector<512x640xf32> to vector<512x128xf32>
      %tanh3A_239 = math.tanh %slice3A_238 : vector<512x128xf32>
      %mul3A_240 = arith.constant 5.000000e-01 : f32
      %mul3A_241 = vector.broadcast %mul3A_240 : f32 to vector<512x128xf32>
      %mul3A_242 = arith.mulf %mul3A_241, %tanh3A_239 : vector<512x128xf32>
      %add3A_243 = arith.constant 5.000000e-01 : f32
      %add3A_244 = vector.broadcast %add3A_243 : f32 to vector<512x128xf32>
      %add3A_245 = arith.addf %mul3A_242, %add3A_244 : vector<512x128xf32>
      %slice3A_246 = vector.extract_strided_slice %add3A_237 {offsets = [0, 128], sizes = [512, 128], strides = [1, 1]} : vector<512x640xf32> to vector<512x128xf32>
      %tanh3A_247 = math.tanh %slice3A_246 : vector<512x128xf32>
      %mul3A_248 = arith.constant 5.000000e-01 : f32
      %mul3A_249 = vector.broadcast %mul3A_248 : f32 to vector<512x128xf32>
      %mul3A_250 = arith.mulf %mul3A_249, %tanh3A_247 : vector<512x128xf32>
      %add3A_251 = arith.constant 5.000000e-01 : f32
      %add3A_252 = vector.broadcast %add3A_251 : f32 to vector<512x128xf32>
      %add3A_253 = arith.addf %mul3A_250, %add3A_252 : vector<512x128xf32>
      %slice3A_254 = vector.extract_strided_slice %add3A_237 {offsets = [0, 256], sizes = [512, 128], strides = [1, 1]} : vector<512x640xf32> to vector<512x128xf32>
      %tanh3A_255 = math.tanh %slice3A_254 : vector<512x128xf32>
      %mul3A_256 = arith.constant 5.000000e-01 : f32
      %mul3A_257 = vector.broadcast %mul3A_256 : f32 to vector<512x128xf32>
      %mul3A_258 = arith.mulf %mul3A_257, %tanh3A_255 : vector<512x128xf32>
      %add3A_259 = arith.constant 5.000000e-01 : f32
      %add3A_260 = vector.broadcast %add3A_259 : f32 to vector<512x128xf32>
      %add3A_261 = arith.addf %mul3A_258, %add3A_260 : vector<512x128xf32>
      %slice3A_262 = vector.extract_strided_slice %add3A_237 {offsets = [0, 384], sizes = [512, 128], strides = [1, 1]} : vector<512x640xf32> to vector<512x128xf32>
      %tanh3A_263 = math.tanh %slice3A_262 : vector<512x128xf32>
      %mul3A_264 = arith.constant 5.000000e-01 : f32
      %mul3A_265 = vector.broadcast %mul3A_264 : f32 to vector<512x128xf32>
      %mul3A_266 = arith.mulf %mul3A_265, %tanh3A_263 : vector<512x128xf32>
      %add3A_267 = arith.constant 5.000000e-01 : f32
      %add3A_268 = vector.broadcast %add3A_267 : f32 to vector<512x128xf32>
      %add3A_269 = arith.addf %mul3A_266, %add3A_268 : vector<512x128xf32>
      %slice3A_270 = vector.extract_strided_slice %add3A_237 {offsets = [0, 512], sizes = [512, 128], strides = [1, 1]} : vector<512x640xf32> to vector<512x128xf32>
      %tanh3A_271 = math.tanh %slice3A_270 : vector<512x128xf32>
      %mul3A_272 = arith.mulf %add3A_245, %tanh3A_271 : vector<512x128xf32>
      %mul3A_273 = arith.mulf %add3A_253, %slice3A_220 : vector<512x128xf32>
      %add3A_274 = arith.addf %mul3A_272, %mul3A_273 : vector<512x128xf32>
      %mul3A_275 = arith.mulf %add3A_261, %slice3A_221 : vector<512x128xf32>
      %add3A_276 = arith.addf %add3A_274, %mul3A_275 : vector<512x128xf32>
      %tanh3A_277 = math.tanh %add3A_276 : vector<512x128xf32>
      %mul3A_278 = arith.mulf %add3A_269, %tanh3A_277 : vector<512x128xf32>
      %convert_element_type3A_279 = arith.truncf %mul3A_278 : vector<512x128xf32> to vector<512x128xbf16>
      %get3A_280 = arith.constant 0 : index
      %get3A_281 = arith.constant 0 : index
      %get3A_282 = vector.load %arg7[%get3A_280, %get3A_281] : memref<128x512xbf16, #tpu.memory_space<vmem>>, vector<128x512xbf16>
      %dot_general3A_283 = arith.constant dense<0.000000e+00> : vector<512x512xf32>
      %dot_general3A_284 = tpu.matmul %convert_element_type3A_279, %get3A_282, %dot_general3A_283 {dimension_numbers = #tpu.dot_dimension_numbers<[1], [0], [0], [1], [0, 0, 1, 1], [], []>, transpose_lhs_hint = false} : vector<512x128xbf16>, vector<128x512xbf16>, vector<512x512xf32> -> vector<512x512xf32>
      %get3A_285 = arith.constant 0 : index
      %get3A_286 = arith.constant 0 : index
      %get3A_287 = vector.load %arg8[%get3A_285, %get3A_286] : memref<1x512xf32, #tpu.memory_space<vmem>>, vector<1x512xf32>
      %add3A_288 = vector.broadcast %get3A_287 : vector<1x512xf32> to vector<512x512xf32>
      %add3A_289 = arith.addf %dot_general3A_284, %add3A_288 : vector<512x512xf32>
      %slice3A_290 = vector.extract_strided_slice %add3A_289 {offsets = [0, 0], sizes = [512, 128], strides = [1, 1]} : vector<512x512xf32> to vector<512x128xf32>
      %tanh3A_291 = math.tanh %slice3A_290 : vector<512x128xf32>
      %mul3A_292 = arith.constant 5.000000e-01 : f32
      %mul3A_293 = vector.broadcast %mul3A_292 : f32 to vector<512x128xf32>
      %mul3A_294 = arith.mulf %mul3A_293, %tanh3A_291 : vector<512x128xf32>
      %add3A_295 = arith.constant 5.000000e-01 : f32
      %add3A_296 = vector.broadcast %add3A_295 : f32 to vector<512x128xf32>
      %add3A_297 = arith.addf %mul3A_294, %add3A_296 : vector<512x128xf32>
      %slice3A_298 = vector.extract_strided_slice %add3A_289 {offsets = [0, 128], sizes = [512, 128], strides = [1, 1]} : vector<512x512xf32> to vector<512x128xf32>
      %tanh3A_299 = math.tanh %slice3A_298 : vector<512x128xf32>
      %mul3A_300 = arith.constant 5.000000e-01 : f32
      %mul3A_301 = vector.broadcast %mul3A_300 : f32 to vector<512x128xf32>
      %mul3A_302 = arith.mulf %mul3A_301, %tanh3A_299 : vector<512x128xf32>
      %add3A_303 = arith.constant 5.000000e-01 : f32
      %add3A_304 = vector.broadcast %add3A_303 : f32 to vector<512x128xf32>
      %add3A_305 = arith.addf %mul3A_302, %add3A_304 : vector<512x128xf32>
      %slice3A_306 = vector.extract_strided_slice %add3A_289 {offsets = [0, 256], sizes = [512, 128], strides = [1, 1]} : vector<512x512xf32> to vector<512x128xf32>
      %tanh3A_307 = math.tanh %slice3A_306 : vector<512x128xf32>
      %mul3A_308 = arith.constant 5.000000e-01 : f32
      %mul3A_309 = vector.broadcast %mul3A_308 : f32 to vector<512x128xf32>
      %mul3A_310 = arith.mulf %mul3A_309, %tanh3A_307 : vector<512x128xf32>
      %add3A_311 = arith.constant 5.000000e-01 : f32
      %add3A_312 = vector.broadcast %add3A_311 : f32 to vector<512x128xf32>
      %add3A_313 = arith.addf %mul3A_310, %add3A_312 : vector<512x128xf32>
      %slice3A_314 = vector.extract_strided_slice %add3A_289 {offsets = [0, 384], sizes = [512, 128], strides = [1, 1]} : vector<512x512xf32> to vector<512x128xf32>
      %tanh3A_315 = math.tanh %slice3A_314 : vector<512x128xf32>
      %mul3A_316 = arith.mulf %add3A_297, %tanh3A_315 : vector<512x128xf32>
      %mul3A_317 = arith.mulf %add3A_305, %add3A_276 : vector<512x128xf32>
      %add3A_318 = arith.addf %mul3A_316, %mul3A_317 : vector<512x128xf32>
      %tanh3A_319 = math.tanh %add3A_318 : vector<512x128xf32>
      %mul3A_320 = arith.mulf %add3A_313, %tanh3A_319 : vector<512x128xf32>
      %slice3A_321 = vector.extract_strided_slice %mul3A_320 {offsets = [0, 0], sizes = [256, 128], strides = [1, 1]} : vector<512x128xf32> to vector<256x128xf32>
      %convert_element_type3A_322 = arith.truncf %slice3A_321 : vector<256x128xf32> to vector<256x128xbf16>
      %slice3A_323 = vector.extract_strided_slice %mul3A_320 {offsets = [256, 0], sizes = [256, 128], strides = [1, 1]} : vector<512x128xf32> to vector<256x128xf32>
      %convert_element_type3A_324 = arith.truncf %slice3A_323 : vector<256x128xf32> to vector<256x128xbf16>
      %slice3A_325 = vector.extract_strided_slice %add3A_318 {offsets = [0, 0], sizes = [256, 128], strides = [1, 1]} : vector<512x128xf32> to vector<256x128xf32>
      %slice3A_326 = vector.extract_strided_slice %add3A_318 {offsets = [256, 0], sizes = [256, 128], strides = [1, 1]} : vector<512x128xf32> to vector<256x128xf32>
      %get3A_327 = arith.constant 0 : index
      %get3A_328 = arith.constant 0 : index
      %get3A_329 = vector.load %arg3[%get3A_327, %get3A_328] : memref<256x640xbf16, #tpu.memory_space<vmem>>, vector<128x640xbf16>
      %dot_general3A_330 = arith.constant dense<0.000000e+00> : vector<256x640xf32>
      %dot_general3A_331 = tpu.matmul %convert_element_type3A_322, %get3A_329, %dot_general3A_330 {dimension_numbers = #tpu.dot_dimension_numbers<[1], [0], [0], [1], [0, 0, 1, 1], [], []>, transpose_lhs_hint = false} : vector<256x128xbf16>, vector<128x640xbf16>, vector<256x640xf32> -> vector<256x640xf32>
      %get3A_332 = arith.constant 128 : index
      %get3A_333 = arith.constant 0 : index
      %get3A_334 = vector.load %arg3[%get3A_332, %get3A_333] : memref<256x640xbf16, #tpu.memory_space<vmem>>, vector<128x640xbf16>
      %dot_general3A_335 = arith.constant dense<0.000000e+00> : vector<256x640xf32>
      %dot_general3A_336 = tpu.matmul %convert_element_type3A_324, %get3A_334, %dot_general3A_335 {dimension_numbers = #tpu.dot_dimension_numbers<[1], [0], [0], [1], [0, 0, 1, 1], [], []>, transpose_lhs_hint = false} : vector<256x128xbf16>, vector<128x640xbf16>, vector<256x640xf32> -> vector<256x640xf32>
      %add3A_337 = arith.addf %dot_general3A_331, %dot_general3A_336 : vector<256x640xf32>
      %get3A_338 = arith.constant 0 : index
      %get3A_339 = arith.constant 0 : index
      %get3A_340 = vector.load %arg4[%get3A_338, %get3A_339] : memref<1x640xf32, #tpu.memory_space<vmem>>, vector<1x640xf32>
      %add3A_341 = vector.broadcast %get3A_340 : vector<1x640xf32> to vector<256x640xf32>
      %add3A_342 = arith.addf %add3A_337, %add3A_341 : vector<256x640xf32>
      %slice3A_343 = vector.extract_strided_slice %add3A_342 {offsets = [0, 0], sizes = [256, 128], strides = [1, 1]} : vector<256x640xf32> to vector<256x128xf32>
      %tanh3A_344 = math.tanh %slice3A_343 : vector<256x128xf32>
      %mul3A_345 = arith.constant 5.000000e-01 : f32
      %mul3A_346 = vector.broadcast %mul3A_345 : f32 to vector<256x128xf32>
      %mul3A_347 = arith.mulf %mul3A_346, %tanh3A_344 : vector<256x128xf32>
      %add3A_348 = arith.constant 5.000000e-01 : f32
      %add3A_349 = vector.broadcast %add3A_348 : f32 to vector<256x128xf32>
      %add3A_350 = arith.addf %mul3A_347, %add3A_349 : vector<256x128xf32>
      %slice3A_351 = vector.extract_strided_slice %add3A_342 {offsets = [0, 128], sizes = [256, 128], strides = [1, 1]} : vector<256x640xf32> to vector<256x128xf32>
      %tanh3A_352 = math.tanh %slice3A_351 : vector<256x128xf32>
      %mul3A_353 = arith.constant 5.000000e-01 : f32
      %mul3A_354 = vector.broadcast %mul3A_353 : f32 to vector<256x128xf32>
      %mul3A_355 = arith.mulf %mul3A_354, %tanh3A_352 : vector<256x128xf32>
      %add3A_356 = arith.constant 5.000000e-01 : f32
      %add3A_357 = vector.broadcast %add3A_356 : f32 to vector<256x128xf32>
      %add3A_358 = arith.addf %mul3A_355, %add3A_357 : vector<256x128xf32>
      %slice3A_359 = vector.extract_strided_slice %add3A_342 {offsets = [0, 256], sizes = [256, 128], strides = [1, 1]} : vector<256x640xf32> to vector<256x128xf32>
      %tanh3A_360 = math.tanh %slice3A_359 : vector<256x128xf32>
      %mul3A_361 = arith.constant 5.000000e-01 : f32
      %mul3A_362 = vector.broadcast %mul3A_361 : f32 to vector<256x128xf32>
      %mul3A_363 = arith.mulf %mul3A_362, %tanh3A_360 : vector<256x128xf32>
      %add3A_364 = arith.constant 5.000000e-01 : f32
      %add3A_365 = vector.broadcast %add3A_364 : f32 to vector<256x128xf32>
      %add3A_366 = arith.addf %mul3A_363, %add3A_365 : vector<256x128xf32>
      %slice3A_367 = vector.extract_strided_slice %add3A_342 {offsets = [0, 384], sizes = [256, 128], strides = [1, 1]} : vector<256x640xf32> to vector<256x128xf32>
      %tanh3A_368 = math.tanh %slice3A_367 : vector<256x128xf32>
      %mul3A_369 = arith.constant 5.000000e-01 : f32
      %mul3A_370 = vector.broadcast %mul3A_369 : f32 to vector<256x128xf32>
      %mul3A_371 = arith.mulf %mul3A_370, %tanh3A_368 : vector<256x128xf32>
      %add3A_372 = arith.constant 5.000000e-01 : f32
      %add3A_373 = vector.broadcast %add3A_372 : f32 to vector<256x128xf32>
      %add3A_374 = arith.addf %mul3A_371, %add3A_373 : vector<256x128xf32>
      %slice3A_375 = vector.extract_strided_slice %add3A_342 {offsets = [0, 512], sizes = [256, 128], strides = [1, 1]} : vector<256x640xf32> to vector<256x128xf32>
      %tanh3A_376 = math.tanh %slice3A_375 : vector<256x128xf32>
      %mul3A_377 = arith.mulf %add3A_350, %tanh3A_376 : vector<256x128xf32>
      %mul3A_378 = arith.mulf %add3A_358, %slice3A_325 : vector<256x128xf32>
      %add3A_379 = arith.addf %mul3A_377, %mul3A_378 : vector<256x128xf32>
      %mul3A_380 = arith.mulf %add3A_366, %slice3A_326 : vector<256x128xf32>
      %add3A_381 = arith.addf %add3A_379, %mul3A_380 : vector<256x128xf32>
      %tanh3A_382 = math.tanh %add3A_381 : vector<256x128xf32>
      %mul3A_383 = arith.mulf %add3A_374, %tanh3A_382 : vector<256x128xf32>
      %convert_element_type3A_384 = arith.truncf %mul3A_383 : vector<256x128xf32> to vector<256x128xbf16>
      %get3A_385 = arith.constant 0 : index
      %get3A_386 = arith.constant 0 : index
      %get3A_387 = vector.load %arg7[%get3A_385, %get3A_386] : memref<128x512xbf16, #tpu.memory_space<vmem>>, vector<128x512xbf16>
      %dot_general3A_388 = arith.constant dense<0.000000e+00> : vector<256x512xf32>
      %dot_general3A_389 = tpu.matmul %convert_element_type3A_384, %get3A_387, %dot_general3A_388 {dimension_numbers = #tpu.dot_dimension_numbers<[1], [0], [0], [1], [0, 0, 1, 1], [], []>, transpose_lhs_hint = false} : vector<256x128xbf16>, vector<128x512xbf16>, vector<256x512xf32> -> vector<256x512xf32>
      %get3A_390 = arith.constant 0 : index
      %get3A_391 = arith.constant 0 : index
      %get3A_392 = vector.load %arg8[%get3A_390, %get3A_391] : memref<1x512xf32, #tpu.memory_space<vmem>>, vector<1x512xf32>
      %add3A_393 = vector.broadcast %get3A_392 : vector<1x512xf32> to vector<256x512xf32>
      %add3A_394 = arith.addf %dot_general3A_389, %add3A_393 : vector<256x512xf32>
      %slice3A_395 = vector.extract_strided_slice %add3A_394 {offsets = [0, 0], sizes = [256, 128], strides = [1, 1]} : vector<256x512xf32> to vector<256x128xf32>
      %tanh3A_396 = math.tanh %slice3A_395 : vector<256x128xf32>
      %mul3A_397 = arith.constant 5.000000e-01 : f32
      %mul3A_398 = vector.broadcast %mul3A_397 : f32 to vector<256x128xf32>
      %mul3A_399 = arith.mulf %mul3A_398, %tanh3A_396 : vector<256x128xf32>
      %add3A_400 = arith.constant 5.000000e-01 : f32
      %add3A_401 = vector.broadcast %add3A_400 : f32 to vector<256x128xf32>
      %add3A_402 = arith.addf %mul3A_399, %add3A_401 : vector<256x128xf32>
      %slice3A_403 = vector.extract_strided_slice %add3A_394 {offsets = [0, 128], sizes = [256, 128], strides = [1, 1]} : vector<256x512xf32> to vector<256x128xf32>
      %tanh3A_404 = math.tanh %slice3A_403 : vector<256x128xf32>
      %mul3A_405 = arith.constant 5.000000e-01 : f32
      %mul3A_406 = vector.broadcast %mul3A_405 : f32 to vector<256x128xf32>
      %mul3A_407 = arith.mulf %mul3A_406, %tanh3A_404 : vector<256x128xf32>
      %add3A_408 = arith.constant 5.000000e-01 : f32
      %add3A_409 = vector.broadcast %add3A_408 : f32 to vector<256x128xf32>
      %add3A_410 = arith.addf %mul3A_407, %add3A_409 : vector<256x128xf32>
      %slice3A_411 = vector.extract_strided_slice %add3A_394 {offsets = [0, 256], sizes = [256, 128], strides = [1, 1]} : vector<256x512xf32> to vector<256x128xf32>
      %tanh3A_412 = math.tanh %slice3A_411 : vector<256x128xf32>
      %mul3A_413 = arith.constant 5.000000e-01 : f32
      %mul3A_414 = vector.broadcast %mul3A_413 : f32 to vector<256x128xf32>
      %mul3A_415 = arith.mulf %mul3A_414, %tanh3A_412 : vector<256x128xf32>
      %add3A_416 = arith.constant 5.000000e-01 : f32
      %add3A_417 = vector.broadcast %add3A_416 : f32 to vector<256x128xf32>
      %add3A_418 = arith.addf %mul3A_415, %add3A_417 : vector<256x128xf32>
      %slice3A_419 = vector.extract_strided_slice %add3A_394 {offsets = [0, 384], sizes = [256, 128], strides = [1, 1]} : vector<256x512xf32> to vector<256x128xf32>
      %tanh3A_420 = math.tanh %slice3A_419 : vector<256x128xf32>
      %mul3A_421 = arith.mulf %add3A_402, %tanh3A_420 : vector<256x128xf32>
      %mul3A_422 = arith.mulf %add3A_410, %add3A_381 : vector<256x128xf32>
      %add3A_423 = arith.addf %mul3A_421, %mul3A_422 : vector<256x128xf32>
      %tanh3A_424 = math.tanh %add3A_423 : vector<256x128xf32>
      %mul3A_425 = arith.mulf %add3A_418, %tanh3A_424 : vector<256x128xf32>
      %slice3A_426 = vector.extract_strided_slice %mul3A_425 {offsets = [0, 0], sizes = [128, 128], strides = [1, 1]} : vector<256x128xf32> to vector<128x128xf32>
      %convert_element_type3A_427 = arith.truncf %slice3A_426 : vector<128x128xf32> to vector<128x128xbf16>
      %slice3A_428 = vector.extract_strided_slice %mul3A_425 {offsets = [128, 0], sizes = [128, 128], strides = [1, 1]} : vector<256x128xf32> to vector<128x128xf32>
      %convert_element_type3A_429 = arith.truncf %slice3A_428 : vector<128x128xf32> to vector<128x128xbf16>
      %slice3A_430 = vector.extract_strided_slice %add3A_423 {offsets = [0, 0], sizes = [128, 128], strides = [1, 1]} : vector<256x128xf32> to vector<128x128xf32>
      %slice3A_431 = vector.extract_strided_slice %add3A_423 {offsets = [128, 0], sizes = [128, 128], strides = [1, 1]} : vector<256x128xf32> to vector<128x128xf32>
      %get3A_432 = arith.constant 0 : index
      %get3A_433 = arith.constant 0 : index
      %get3A_434 = vector.load %arg3[%get3A_432, %get3A_433] : memref<256x640xbf16, #tpu.memory_space<vmem>>, vector<128x640xbf16>
      %dot_general3A_435 = arith.constant dense<0.000000e+00> : vector<128x640xf32>
      %dot_general3A_436 = tpu.matmul %convert_element_type3A_427, %get3A_434, %dot_general3A_435 {dimension_numbers = #tpu.dot_dimension_numbers<[1], [0], [0], [1], [0, 0, 1, 1], [], []>, transpose_lhs_hint = false} : vector<128x128xbf16>, vector<128x640xbf16>, vector<128x640xf32> -> vector<128x640xf32>
      %get3A_437 = arith.constant 128 : index
      %get3A_438 = arith.constant 0 : index
      %get3A_439 = vector.load %arg3[%get3A_437, %get3A_438] : memref<256x640xbf16, #tpu.memory_space<vmem>>, vector<128x640xbf16>
      %dot_general3A_440 = arith.constant dense<0.000000e+00> : vector<128x640xf32>
      %dot_general3A_441 = tpu.matmul %convert_element_type3A_429, %get3A_439, %dot_general3A_440 {dimension_numbers = #tpu.dot_dimension_numbers<[1], [0], [0], [1], [0, 0, 1, 1], [], []>, transpose_lhs_hint = false} : vector<128x128xbf16>, vector<128x640xbf16>, vector<128x640xf32> -> vector<128x640xf32>
      %add3A_442 = arith.addf %dot_general3A_436, %dot_general3A_441 : vector<128x640xf32>
      %get3A_443 = arith.constant 0 : index
      %get3A_444 = arith.constant 0 : index
      %get3A_445 = vector.load %arg4[%get3A_443, %get3A_444] : memref<1x640xf32, #tpu.memory_space<vmem>>, vector<1x640xf32>
      %add3A_446 = vector.broadcast %get3A_445 : vector<1x640xf32> to vector<128x640xf32>
      %add3A_447 = arith.addf %add3A_442, %add3A_446 : vector<128x640xf32>
      %slice3A_448 = vector.extract_strided_slice %add3A_447 {offsets = [0, 0], sizes = [128, 128], strides = [1, 1]} : vector<128x640xf32> to vector<128x128xf32>
      %tanh3A_449 = math.tanh %slice3A_448 : vector<128x128xf32>
      %mul3A_450 = arith.constant 5.000000e-01 : f32
      %mul3A_451 = vector.broadcast %mul3A_450 : f32 to vector<128x128xf32>
      %mul3A_452 = arith.mulf %mul3A_451, %tanh3A_449 : vector<128x128xf32>
      %add3A_453 = arith.constant 5.000000e-01 : f32
      %add3A_454 = vector.broadcast %add3A_453 : f32 to vector<128x128xf32>
      %add3A_455 = arith.addf %mul3A_452, %add3A_454 : vector<128x128xf32>
      %slice3A_456 = vector.extract_strided_slice %add3A_447 {offsets = [0, 128], sizes = [128, 128], strides = [1, 1]} : vector<128x640xf32> to vector<128x128xf32>
      %tanh3A_457 = math.tanh %slice3A_456 : vector<128x128xf32>
      %mul3A_458 = arith.constant 5.000000e-01 : f32
      %mul3A_459 = vector.broadcast %mul3A_458 : f32 to vector<128x128xf32>
      %mul3A_460 = arith.mulf %mul3A_459, %tanh3A_457 : vector<128x128xf32>
      %add3A_461 = arith.constant 5.000000e-01 : f32
      %add3A_462 = vector.broadcast %add3A_461 : f32 to vector<128x128xf32>
      %add3A_463 = arith.addf %mul3A_460, %add3A_462 : vector<128x128xf32>
      %slice3A_464 = vector.extract_strided_slice %add3A_447 {offsets = [0, 256], sizes = [128, 128], strides = [1, 1]} : vector<128x640xf32> to vector<128x128xf32>
      %tanh3A_465 = math.tanh %slice3A_464 : vector<128x128xf32>
      %mul3A_466 = arith.constant 5.000000e-01 : f32
      %mul3A_467 = vector.broadcast %mul3A_466 : f32 to vector<128x128xf32>
      %mul3A_468 = arith.mulf %mul3A_467, %tanh3A_465 : vector<128x128xf32>
      %add3A_469 = arith.constant 5.000000e-01 : f32
      %add3A_470 = vector.broadcast %add3A_469 : f32 to vector<128x128xf32>
      %add3A_471 = arith.addf %mul3A_468, %add3A_470 : vector<128x128xf32>
      %slice3A_472 = vector.extract_strided_slice %add3A_447 {offsets = [0, 384], sizes = [128, 128], strides = [1, 1]} : vector<128x640xf32> to vector<128x128xf32>
      %tanh3A_473 = math.tanh %slice3A_472 : vector<128x128xf32>
      %mul3A_474 = arith.constant 5.000000e-01 : f32
      %mul3A_475 = vector.broadcast %mul3A_474 : f32 to vector<128x128xf32>
      %mul3A_476 = arith.mulf %mul3A_475, %tanh3A_473 : vector<128x128xf32>
      %add3A_477 = arith.constant 5.000000e-01 : f32
      %add3A_478 = vector.broadcast %add3A_477 : f32 to vector<128x128xf32>
      %add3A_479 = arith.addf %mul3A_476, %add3A_478 : vector<128x128xf32>
      %slice3A_480 = vector.extract_strided_slice %add3A_447 {offsets = [0, 512], sizes = [128, 128], strides = [1, 1]} : vector<128x640xf32> to vector<128x128xf32>
      %tanh3A_481 = math.tanh %slice3A_480 : vector<128x128xf32>
      %mul3A_482 = arith.mulf %add3A_455, %tanh3A_481 : vector<128x128xf32>
      %mul3A_483 = arith.mulf %add3A_463, %slice3A_430 : vector<128x128xf32>
      %add3A_484 = arith.addf %mul3A_482, %mul3A_483 : vector<128x128xf32>
      %mul3A_485 = arith.mulf %add3A_471, %slice3A_431 : vector<128x128xf32>
      %add3A_486 = arith.addf %add3A_484, %mul3A_485 : vector<128x128xf32>
      %tanh3A_487 = math.tanh %add3A_486 : vector<128x128xf32>
      %mul3A_488 = arith.mulf %add3A_479, %tanh3A_487 : vector<128x128xf32>
      %convert_element_type3A_489 = arith.truncf %mul3A_488 : vector<128x128xf32> to vector<128x128xbf16>
      %get3A_490 = arith.constant 0 : index
      %get3A_491 = arith.constant 0 : index
      %get3A_492 = vector.load %arg7[%get3A_490, %get3A_491] : memref<128x512xbf16, #tpu.memory_space<vmem>>, vector<128x512xbf16>
      %dot_general3A_493 = arith.constant dense<0.000000e+00> : vector<128x512xf32>
      %dot_general3A_494 = tpu.matmul %convert_element_type3A_489, %get3A_492, %dot_general3A_493 {dimension_numbers = #tpu.dot_dimension_numbers<[1], [0], [0], [1], [0, 0, 1, 1], [], []>, transpose_lhs_hint = false} : vector<128x128xbf16>, vector<128x512xbf16>, vector<128x512xf32> -> vector<128x512xf32>
      %get3A_495 = arith.constant 0 : index
      %get3A_496 = arith.constant 0 : index
      %get3A_497 = vector.load %arg8[%get3A_495, %get3A_496] : memref<1x512xf32, #tpu.memory_space<vmem>>, vector<1x512xf32>
      %add3A_498 = vector.broadcast %get3A_497 : vector<1x512xf32> to vector<128x512xf32>
      %add3A_499 = arith.addf %dot_general3A_494, %add3A_498 : vector<128x512xf32>
      %slice3A_500 = vector.extract_strided_slice %add3A_499 {offsets = [0, 0], sizes = [128, 128], strides = [1, 1]} : vector<128x512xf32> to vector<128x128xf32>
      %tanh3A_501 = math.tanh %slice3A_500 : vector<128x128xf32>
      %mul3A_502 = arith.constant 5.000000e-01 : f32
      %mul3A_503 = vector.broadcast %mul3A_502 : f32 to vector<128x128xf32>
      %mul3A_504 = arith.mulf %mul3A_503, %tanh3A_501 : vector<128x128xf32>
      %add3A_505 = arith.constant 5.000000e-01 : f32
      %add3A_506 = vector.broadcast %add3A_505 : f32 to vector<128x128xf32>
      %add3A_507 = arith.addf %mul3A_504, %add3A_506 : vector<128x128xf32>
      %slice3A_508 = vector.extract_strided_slice %add3A_499 {offsets = [0, 128], sizes = [128, 128], strides = [1, 1]} : vector<128x512xf32> to vector<128x128xf32>
      %tanh3A_509 = math.tanh %slice3A_508 : vector<128x128xf32>
      %mul3A_510 = arith.constant 5.000000e-01 : f32
      %mul3A_511 = vector.broadcast %mul3A_510 : f32 to vector<128x128xf32>
      %mul3A_512 = arith.mulf %mul3A_511, %tanh3A_509 : vector<128x128xf32>
      %add3A_513 = arith.constant 5.000000e-01 : f32
      %add3A_514 = vector.broadcast %add3A_513 : f32 to vector<128x128xf32>
      %add3A_515 = arith.addf %mul3A_512, %add3A_514 : vector<128x128xf32>
      %slice3A_516 = vector.extract_strided_slice %add3A_499 {offsets = [0, 256], sizes = [128, 128], strides = [1, 1]} : vector<128x512xf32> to vector<128x128xf32>
      %tanh3A_517 = math.tanh %slice3A_516 : vector<128x128xf32>
      %mul3A_518 = arith.constant 5.000000e-01 : f32
      %mul3A_519 = vector.broadcast %mul3A_518 : f32 to vector<128x128xf32>
      %mul3A_520 = arith.mulf %mul3A_519, %tanh3A_517 : vector<128x128xf32>
      %add3A_521 = arith.constant 5.000000e-01 : f32
      %add3A_522 = vector.broadcast %add3A_521 : f32 to vector<128x128xf32>
      %add3A_523 = arith.addf %mul3A_520, %add3A_522 : vector<128x128xf32>
      %slice3A_524 = vector.extract_strided_slice %add3A_499 {offsets = [0, 384], sizes = [128, 128], strides = [1, 1]} : vector<128x512xf32> to vector<128x128xf32>
      %tanh3A_525 = math.tanh %slice3A_524 : vector<128x128xf32>
      %mul3A_526 = arith.mulf %add3A_507, %tanh3A_525 : vector<128x128xf32>
      %mul3A_527 = arith.mulf %add3A_515, %add3A_486 : vector<128x128xf32>
      %add3A_528 = arith.addf %mul3A_526, %mul3A_527 : vector<128x128xf32>
      %tanh3A_529 = math.tanh %add3A_528 : vector<128x128xf32>
      %mul3A_530 = arith.mulf %add3A_523, %tanh3A_529 : vector<128x128xf32>
      %slice3A_531 = vector.extract_strided_slice %mul3A_530 {offsets = [0, 0], sizes = [64, 128], strides = [1, 1]} : vector<128x128xf32> to vector<64x128xf32>
      %convert_element_type3A_532 = arith.truncf %slice3A_531 : vector<64x128xf32> to vector<64x128xbf16>
      %slice3A_533 = vector.extract_strided_slice %mul3A_530 {offsets = [64, 0], sizes = [64, 128], strides = [1, 1]} : vector<128x128xf32> to vector<64x128xf32>
      %convert_element_type3A_534 = arith.truncf %slice3A_533 : vector<64x128xf32> to vector<64x128xbf16>
      %slice3A_535 = vector.extract_strided_slice %add3A_528 {offsets = [0, 0], sizes = [64, 128], strides = [1, 1]} : vector<128x128xf32> to vector<64x128xf32>
      %slice3A_536 = vector.extract_strided_slice %add3A_528 {offsets = [64, 0], sizes = [64, 128], strides = [1, 1]} : vector<128x128xf32> to vector<64x128xf32>
      %get3A_537 = arith.constant 0 : index
      %get3A_538 = arith.constant 0 : index
      %get3A_539 = vector.load %arg3[%get3A_537, %get3A_538] : memref<256x640xbf16, #tpu.memory_space<vmem>>, vector<128x640xbf16>
      %dot_general3A_540 = arith.constant dense<0.000000e+00> : vector<64x640xf32>
      %dot_general3A_541 = tpu.matmul %convert_element_type3A_532, %get3A_539, %dot_general3A_540 {dimension_numbers = #tpu.dot_dimension_numbers<[1], [0], [0], [1], [0, 0, 1, 1], [], []>, transpose_lhs_hint = false} : vector<64x128xbf16>, vector<128x640xbf16>, vector<64x640xf32> -> vector<64x640xf32>
      %get3A_542 = arith.constant 128 : index
      %get3A_543 = arith.constant 0 : index
      %get3A_544 = vector.load %arg3[%get3A_542, %get3A_543] : memref<256x640xbf16, #tpu.memory_space<vmem>>, vector<128x640xbf16>
      %dot_general3A_545 = arith.constant dense<0.000000e+00> : vector<64x640xf32>
      %dot_general3A_546 = tpu.matmul %convert_element_type3A_534, %get3A_544, %dot_general3A_545 {dimension_numbers = #tpu.dot_dimension_numbers<[1], [0], [0], [1], [0, 0, 1, 1], [], []>, transpose_lhs_hint = false} : vector<64x128xbf16>, vector<128x640xbf16>, vector<64x640xf32> -> vector<64x640xf32>
      %add3A_547 = arith.addf %dot_general3A_541, %dot_general3A_546 : vector<64x640xf32>
      %get3A_548 = arith.constant 0 : index
      %get3A_549 = arith.constant 0 : index
      %get3A_550 = vector.load %arg4[%get3A_548, %get3A_549] : memref<1x640xf32, #tpu.memory_space<vmem>>, vector<1x640xf32>
      %add3A_551 = vector.broadcast %get3A_550 : vector<1x640xf32> to vector<64x640xf32>
      %add3A_552 = arith.addf %add3A_547, %add3A_551 : vector<64x640xf32>
      %slice3A_553 = vector.extract_strided_slice %add3A_552 {offsets = [0, 0], sizes = [64, 128], strides = [1, 1]} : vector<64x640xf32> to vector<64x128xf32>
      %tanh3A_554 = math.tanh %slice3A_553 : vector<64x128xf32>
      %mul3A_555 = arith.constant 5.000000e-01 : f32
      %mul3A_556 = vector.broadcast %mul3A_555 : f32 to vector<64x128xf32>
      %mul3A_557 = arith.mulf %mul3A_556, %tanh3A_554 : vector<64x128xf32>
      %add3A_558 = arith.constant 5.000000e-01 : f32
      %add3A_559 = vector.broadcast %add3A_558 : f32 to vector<64x128xf32>
      %add3A_560 = arith.addf %mul3A_557, %add3A_559 : vector<64x128xf32>
      %slice3A_561 = vector.extract_strided_slice %add3A_552 {offsets = [0, 128], sizes = [64, 128], strides = [1, 1]} : vector<64x640xf32> to vector<64x128xf32>
      %tanh3A_562 = math.tanh %slice3A_561 : vector<64x128xf32>
      %mul3A_563 = arith.constant 5.000000e-01 : f32
      %mul3A_564 = vector.broadcast %mul3A_563 : f32 to vector<64x128xf32>
      %mul3A_565 = arith.mulf %mul3A_564, %tanh3A_562 : vector<64x128xf32>
      %add3A_566 = arith.constant 5.000000e-01 : f32
      %add3A_567 = vector.broadcast %add3A_566 : f32 to vector<64x128xf32>
      %add3A_568 = arith.addf %mul3A_565, %add3A_567 : vector<64x128xf32>
      %slice3A_569 = vector.extract_strided_slice %add3A_552 {offsets = [0, 256], sizes = [64, 128], strides = [1, 1]} : vector<64x640xf32> to vector<64x128xf32>
      %tanh3A_570 = math.tanh %slice3A_569 : vector<64x128xf32>
      %mul3A_571 = arith.constant 5.000000e-01 : f32
      %mul3A_572 = vector.broadcast %mul3A_571 : f32 to vector<64x128xf32>
      %mul3A_573 = arith.mulf %mul3A_572, %tanh3A_570 : vector<64x128xf32>
      %add3A_574 = arith.constant 5.000000e-01 : f32
      %add3A_575 = vector.broadcast %add3A_574 : f32 to vector<64x128xf32>
      %add3A_576 = arith.addf %mul3A_573, %add3A_575 : vector<64x128xf32>
      %slice3A_577 = vector.extract_strided_slice %add3A_552 {offsets = [0, 384], sizes = [64, 128], strides = [1, 1]} : vector<64x640xf32> to vector<64x128xf32>
      %tanh3A_578 = math.tanh %slice3A_577 : vector<64x128xf32>
      %mul3A_579 = arith.constant 5.000000e-01 : f32
      %mul3A_580 = vector.broadcast %mul3A_579 : f32 to vector<64x128xf32>
      %mul3A_581 = arith.mulf %mul3A_580, %tanh3A_578 : vector<64x128xf32>
      %add3A_582 = arith.constant 5.000000e-01 : f32
      %add3A_583 = vector.broadcast %add3A_582 : f32 to vector<64x128xf32>
      %add3A_584 = arith.addf %mul3A_581, %add3A_583 : vector<64x128xf32>
      %slice3A_585 = vector.extract_strided_slice %add3A_552 {offsets = [0, 512], sizes = [64, 128], strides = [1, 1]} : vector<64x640xf32> to vector<64x128xf32>
      %tanh3A_586 = math.tanh %slice3A_585 : vector<64x128xf32>
      %mul3A_587 = arith.mulf %add3A_560, %tanh3A_586 : vector<64x128xf32>
      %mul3A_588 = arith.mulf %add3A_568, %slice3A_535 : vector<64x128xf32>
      %add3A_589 = arith.addf %mul3A_587, %mul3A_588 : vector<64x128xf32>
      %mul3A_590 = arith.mulf %add3A_576, %slice3A_536 : vector<64x128xf32>
      %add3A_591 = arith.addf %add3A_589, %mul3A_590 : vector<64x128xf32>
      %tanh3A_592 = math.tanh %add3A_591 : vector<64x128xf32>
      %mul3A_593 = arith.mulf %add3A_584, %tanh3A_592 : vector<64x128xf32>
      %convert_element_type3A_594 = arith.truncf %mul3A_593 : vector<64x128xf32> to vector<64x128xbf16>
      %get3A_595 = arith.constant 0 : index
      %get3A_596 = arith.constant 0 : index
      %get3A_597 = vector.load %arg7[%get3A_595, %get3A_596] : memref<128x512xbf16, #tpu.memory_space<vmem>>, vector<128x512xbf16>
      %dot_general3A_598 = arith.constant dense<0.000000e+00> : vector<64x512xf32>
      %dot_general3A_599 = tpu.matmul %convert_element_type3A_594, %get3A_597, %dot_general3A_598 {dimension_numbers = #tpu.dot_dimension_numbers<[1], [0], [0], [1], [0, 0, 1, 1], [], []>, transpose_lhs_hint = false} : vector<64x128xbf16>, vector<128x512xbf16>, vector<64x512xf32> -> vector<64x512xf32>
      %get3A_600 = arith.constant 0 : index
      %get3A_601 = arith.constant 0 : index
      %get3A_602 = vector.load %arg8[%get3A_600, %get3A_601] : memref<1x512xf32, #tpu.memory_space<vmem>>, vector<1x512xf32>
      %add3A_603 = vector.broadcast %get3A_602 : vector<1x512xf32> to vector<64x512xf32>
      %add3A_604 = arith.addf %dot_general3A_599, %add3A_603 : vector<64x512xf32>
      %slice3A_605 = vector.extract_strided_slice %add3A_604 {offsets = [0, 0], sizes = [64, 128], strides = [1, 1]} : vector<64x512xf32> to vector<64x128xf32>
      %tanh3A_606 = math.tanh %slice3A_605 : vector<64x128xf32>
      %mul3A_607 = arith.constant 5.000000e-01 : f32
      %mul3A_608 = vector.broadcast %mul3A_607 : f32 to vector<64x128xf32>
      %mul3A_609 = arith.mulf %mul3A_608, %tanh3A_606 : vector<64x128xf32>
      %add3A_610 = arith.constant 5.000000e-01 : f32
      %add3A_611 = vector.broadcast %add3A_610 : f32 to vector<64x128xf32>
      %add3A_612 = arith.addf %mul3A_609, %add3A_611 : vector<64x128xf32>
      %slice3A_613 = vector.extract_strided_slice %add3A_604 {offsets = [0, 128], sizes = [64, 128], strides = [1, 1]} : vector<64x512xf32> to vector<64x128xf32>
      %tanh3A_614 = math.tanh %slice3A_613 : vector<64x128xf32>
      %mul3A_615 = arith.constant 5.000000e-01 : f32
      %mul3A_616 = vector.broadcast %mul3A_615 : f32 to vector<64x128xf32>
      %mul3A_617 = arith.mulf %mul3A_616, %tanh3A_614 : vector<64x128xf32>
      %add3A_618 = arith.constant 5.000000e-01 : f32
      %add3A_619 = vector.broadcast %add3A_618 : f32 to vector<64x128xf32>
      %add3A_620 = arith.addf %mul3A_617, %add3A_619 : vector<64x128xf32>
      %slice3A_621 = vector.extract_strided_slice %add3A_604 {offsets = [0, 256], sizes = [64, 128], strides = [1, 1]} : vector<64x512xf32> to vector<64x128xf32>
      %tanh3A_622 = math.tanh %slice3A_621 : vector<64x128xf32>
      %mul3A_623 = arith.constant 5.000000e-01 : f32
      %mul3A_624 = vector.broadcast %mul3A_623 : f32 to vector<64x128xf32>
      %mul3A_625 = arith.mulf %mul3A_624, %tanh3A_622 : vector<64x128xf32>
      %add3A_626 = arith.constant 5.000000e-01 : f32
      %add3A_627 = vector.broadcast %add3A_626 : f32 to vector<64x128xf32>
      %add3A_628 = arith.addf %mul3A_625, %add3A_627 : vector<64x128xf32>
      %slice3A_629 = vector.extract_strided_slice %add3A_604 {offsets = [0, 384], sizes = [64, 128], strides = [1, 1]} : vector<64x512xf32> to vector<64x128xf32>
      %tanh3A_630 = math.tanh %slice3A_629 : vector<64x128xf32>
      %mul3A_631 = arith.mulf %add3A_612, %tanh3A_630 : vector<64x128xf32>
      %mul3A_632 = arith.mulf %add3A_620, %add3A_591 : vector<64x128xf32>
      %add3A_633 = arith.addf %mul3A_631, %mul3A_632 : vector<64x128xf32>
      %tanh3A_634 = math.tanh %add3A_633 : vector<64x128xf32>
      %mul3A_635 = arith.mulf %add3A_628, %tanh3A_634 : vector<64x128xf32>
      %slice3A_636 = vector.extract_strided_slice %mul3A_635 {offsets = [0, 0], sizes = [32, 128], strides = [1, 1]} : vector<64x128xf32> to vector<32x128xf32>
      %convert_element_type3A_637 = arith.truncf %slice3A_636 : vector<32x128xf32> to vector<32x128xbf16>
      %slice3A_638 = vector.extract_strided_slice %mul3A_635 {offsets = [32, 0], sizes = [32, 128], strides = [1, 1]} : vector<64x128xf32> to vector<32x128xf32>
      %convert_element_type3A_639 = arith.truncf %slice3A_638 : vector<32x128xf32> to vector<32x128xbf16>
      %slice3A_640 = vector.extract_strided_slice %add3A_633 {offsets = [0, 0], sizes = [32, 128], strides = [1, 1]} : vector<64x128xf32> to vector<32x128xf32>
      %slice3A_641 = vector.extract_strided_slice %add3A_633 {offsets = [32, 0], sizes = [32, 128], strides = [1, 1]} : vector<64x128xf32> to vector<32x128xf32>
      %get3A_642 = arith.constant 0 : index
      %get3A_643 = arith.constant 0 : index
      %get3A_644 = vector.load %arg3[%get3A_642, %get3A_643] : memref<256x640xbf16, #tpu.memory_space<vmem>>, vector<128x640xbf16>
      %dot_general3A_645 = arith.constant dense<0.000000e+00> : vector<32x640xf32>
      %dot_general3A_646 = tpu.matmul %convert_element_type3A_637, %get3A_644, %dot_general3A_645 {dimension_numbers = #tpu.dot_dimension_numbers<[1], [0], [0], [1], [0, 0, 1, 1], [], []>, transpose_lhs_hint = false} : vector<32x128xbf16>, vector<128x640xbf16>, vector<32x640xf32> -> vector<32x640xf32>
      %get3A_647 = arith.constant 128 : index
      %get3A_648 = arith.constant 0 : index
      %get3A_649 = vector.load %arg3[%get3A_647, %get3A_648] : memref<256x640xbf16, #tpu.memory_space<vmem>>, vector<128x640xbf16>
      %dot_general3A_650 = arith.constant dense<0.000000e+00> : vector<32x640xf32>
      %dot_general3A_651 = tpu.matmul %convert_element_type3A_639, %get3A_649, %dot_general3A_650 {dimension_numbers = #tpu.dot_dimension_numbers<[1], [0], [0], [1], [0, 0, 1, 1], [], []>, transpose_lhs_hint = false} : vector<32x128xbf16>, vector<128x640xbf16>, vector<32x640xf32> -> vector<32x640xf32>
      %add3A_652 = arith.addf %dot_general3A_646, %dot_general3A_651 : vector<32x640xf32>
      %get3A_653 = arith.constant 0 : index
      %get3A_654 = arith.constant 0 : index
      %get3A_655 = vector.load %arg4[%get3A_653, %get3A_654] : memref<1x640xf32, #tpu.memory_space<vmem>>, vector<1x640xf32>
      %add3A_656 = vector.broadcast %get3A_655 : vector<1x640xf32> to vector<32x640xf32>
      %add3A_657 = arith.addf %add3A_652, %add3A_656 : vector<32x640xf32>
      %slice3A_658 = vector.extract_strided_slice %add3A_657 {offsets = [0, 0], sizes = [32, 128], strides = [1, 1]} : vector<32x640xf32> to vector<32x128xf32>
      %tanh3A_659 = math.tanh %slice3A_658 : vector<32x128xf32>
      %mul3A_660 = arith.constant 5.000000e-01 : f32
      %mul3A_661 = vector.broadcast %mul3A_660 : f32 to vector<32x128xf32>
      %mul3A_662 = arith.mulf %mul3A_661, %tanh3A_659 : vector<32x128xf32>
      %add3A_663 = arith.constant 5.000000e-01 : f32
      %add3A_664 = vector.broadcast %add3A_663 : f32 to vector<32x128xf32>
      %add3A_665 = arith.addf %mul3A_662, %add3A_664 : vector<32x128xf32>
      %slice3A_666 = vector.extract_strided_slice %add3A_657 {offsets = [0, 128], sizes = [32, 128], strides = [1, 1]} : vector<32x640xf32> to vector<32x128xf32>
      %tanh3A_667 = math.tanh %slice3A_666 : vector<32x128xf32>
      %mul3A_668 = arith.constant 5.000000e-01 : f32
      %mul3A_669 = vector.broadcast %mul3A_668 : f32 to vector<32x128xf32>
      %mul3A_670 = arith.mulf %mul3A_669, %tanh3A_667 : vector<32x128xf32>
      %add3A_671 = arith.constant 5.000000e-01 : f32
      %add3A_672 = vector.broadcast %add3A_671 : f32 to vector<32x128xf32>
      %add3A_673 = arith.addf %mul3A_670, %add3A_672 : vector<32x128xf32>
      %slice3A_674 = vector.extract_strided_slice %add3A_657 {offsets = [0, 256], sizes = [32, 128], strides = [1, 1]} : vector<32x640xf32> to vector<32x128xf32>
      %tanh3A_675 = math.tanh %slice3A_674 : vector<32x128xf32>
      %mul3A_676 = arith.constant 5.000000e-01 : f32
      %mul3A_677 = vector.broadcast %mul3A_676 : f32 to vector<32x128xf32>
      %mul3A_678 = arith.mulf %mul3A_677, %tanh3A_675 : vector<32x128xf32>
      %add3A_679 = arith.constant 5.000000e-01 : f32
      %add3A_680 = vector.broadcast %add3A_679 : f32 to vector<32x128xf32>
      %add3A_681 = arith.addf %mul3A_678, %add3A_680 : vector<32x128xf32>
      %slice3A_682 = vector.extract_strided_slice %add3A_657 {offsets = [0, 384], sizes = [32, 128], strides = [1, 1]} : vector<32x640xf32> to vector<32x128xf32>
      %tanh3A_683 = math.tanh %slice3A_682 : vector<32x128xf32>
      %mul3A_684 = arith.constant 5.000000e-01 : f32
      %mul3A_685 = vector.broadcast %mul3A_684 : f32 to vector<32x128xf32>
      %mul3A_686 = arith.mulf %mul3A_685, %tanh3A_683 : vector<32x128xf32>
      %add3A_687 = arith.constant 5.000000e-01 : f32
      %add3A_688 = vector.broadcast %add3A_687 : f32 to vector<32x128xf32>
      %add3A_689 = arith.addf %mul3A_686, %add3A_688 : vector<32x128xf32>
      %slice3A_690 = vector.extract_strided_slice %add3A_657 {offsets = [0, 512], sizes = [32, 128], strides = [1, 1]} : vector<32x640xf32> to vector<32x128xf32>
      %tanh3A_691 = math.tanh %slice3A_690 : vector<32x128xf32>
      %mul3A_692 = arith.mulf %add3A_665, %tanh3A_691 : vector<32x128xf32>
      %mul3A_693 = arith.mulf %add3A_673, %slice3A_640 : vector<32x128xf32>
      %add3A_694 = arith.addf %mul3A_692, %mul3A_693 : vector<32x128xf32>
      %mul3A_695 = arith.mulf %add3A_681, %slice3A_641 : vector<32x128xf32>
      %add3A_696 = arith.addf %add3A_694, %mul3A_695 : vector<32x128xf32>
      %tanh3A_697 = math.tanh %add3A_696 : vector<32x128xf32>
      %mul3A_698 = arith.mulf %add3A_689, %tanh3A_697 : vector<32x128xf32>
      %convert_element_type3A_699 = arith.truncf %mul3A_698 : vector<32x128xf32> to vector<32x128xbf16>
      %get3A_700 = arith.constant 0 : index
      %get3A_701 = arith.constant 0 : index
      %get3A_702 = vector.load %arg7[%get3A_700, %get3A_701] : memref<128x512xbf16, #tpu.memory_space<vmem>>, vector<128x512xbf16>
      %dot_general3A_703 = arith.constant dense<0.000000e+00> : vector<32x512xf32>
      %dot_general3A_704 = tpu.matmul %convert_element_type3A_699, %get3A_702, %dot_general3A_703 {dimension_numbers = #tpu.dot_dimension_numbers<[1], [0], [0], [1], [0, 0, 1, 1], [], []>, transpose_lhs_hint = false} : vector<32x128xbf16>, vector<128x512xbf16>, vector<32x512xf32> -> vector<32x512xf32>
      %get3A_705 = arith.constant 0 : index
      %get3A_706 = arith.constant 0 : index
      %get3A_707 = vector.load %arg8[%get3A_705, %get3A_706] : memref<1x512xf32, #tpu.memory_space<vmem>>, vector<1x512xf32>
      %add3A_708 = vector.broadcast %get3A_707 : vector<1x512xf32> to vector<32x512xf32>
      %add3A_709 = arith.addf %dot_general3A_704, %add3A_708 : vector<32x512xf32>
      %slice3A_710 = vector.extract_strided_slice %add3A_709 {offsets = [0, 0], sizes = [32, 128], strides = [1, 1]} : vector<32x512xf32> to vector<32x128xf32>
      %tanh3A_711 = math.tanh %slice3A_710 : vector<32x128xf32>
      %mul3A_712 = arith.constant 5.000000e-01 : f32
      %mul3A_713 = vector.broadcast %mul3A_712 : f32 to vector<32x128xf32>
      %mul3A_714 = arith.mulf %mul3A_713, %tanh3A_711 : vector<32x128xf32>
      %add3A_715 = arith.constant 5.000000e-01 : f32
      %add3A_716 = vector.broadcast %add3A_715 : f32 to vector<32x128xf32>
      %add3A_717 = arith.addf %mul3A_714, %add3A_716 : vector<32x128xf32>
      %slice3A_718 = vector.extract_strided_slice %add3A_709 {offsets = [0, 128], sizes = [32, 128], strides = [1, 1]} : vector<32x512xf32> to vector<32x128xf32>
      %tanh3A_719 = math.tanh %slice3A_718 : vector<32x128xf32>
      %mul3A_720 = arith.constant 5.000000e-01 : f32
      %mul3A_721 = vector.broadcast %mul3A_720 : f32 to vector<32x128xf32>
      %mul3A_722 = arith.mulf %mul3A_721, %tanh3A_719 : vector<32x128xf32>
      %add3A_723 = arith.constant 5.000000e-01 : f32
      %add3A_724 = vector.broadcast %add3A_723 : f32 to vector<32x128xf32>
      %add3A_725 = arith.addf %mul3A_722, %add3A_724 : vector<32x128xf32>
      %slice3A_726 = vector.extract_strided_slice %add3A_709 {offsets = [0, 256], sizes = [32, 128], strides = [1, 1]} : vector<32x512xf32> to vector<32x128xf32>
      %tanh3A_727 = math.tanh %slice3A_726 : vector<32x128xf32>
      %mul3A_728 = arith.constant 5.000000e-01 : f32
      %mul3A_729 = vector.broadcast %mul3A_728 : f32 to vector<32x128xf32>
      %mul3A_730 = arith.mulf %mul3A_729, %tanh3A_727 : vector<32x128xf32>
      %add3A_731 = arith.constant 5.000000e-01 : f32
      %add3A_732 = vector.broadcast %add3A_731 : f32 to vector<32x128xf32>
      %add3A_733 = arith.addf %mul3A_730, %add3A_732 : vector<32x128xf32>
      %slice3A_734 = vector.extract_strided_slice %add3A_709 {offsets = [0, 384], sizes = [32, 128], strides = [1, 1]} : vector<32x512xf32> to vector<32x128xf32>
      %tanh3A_735 = math.tanh %slice3A_734 : vector<32x128xf32>
      %mul3A_736 = arith.mulf %add3A_717, %tanh3A_735 : vector<32x128xf32>
      %mul3A_737 = arith.mulf %add3A_725, %add3A_696 : vector<32x128xf32>
      %add3A_738 = arith.addf %mul3A_736, %mul3A_737 : vector<32x128xf32>
      %tanh3A_739 = math.tanh %add3A_738 : vector<32x128xf32>
      %mul3A_740 = arith.mulf %add3A_733, %tanh3A_739 : vector<32x128xf32>
      %slice3A_741 = vector.extract_strided_slice %mul3A_740 {offsets = [0, 0], sizes = [16, 128], strides = [1, 1]} : vector<32x128xf32> to vector<16x128xf32>
      %convert_element_type3A_742 = arith.truncf %slice3A_741 : vector<16x128xf32> to vector<16x128xbf16>
      %slice3A_743 = vector.extract_strided_slice %mul3A_740 {offsets = [16, 0], sizes = [16, 128], strides = [1, 1]} : vector<32x128xf32> to vector<16x128xf32>
      %convert_element_type3A_744 = arith.truncf %slice3A_743 : vector<16x128xf32> to vector<16x128xbf16>
      %slice3A_745 = vector.extract_strided_slice %add3A_738 {offsets = [0, 0], sizes = [16, 128], strides = [1, 1]} : vector<32x128xf32> to vector<16x128xf32>
      %slice3A_746 = vector.extract_strided_slice %add3A_738 {offsets = [16, 0], sizes = [16, 128], strides = [1, 1]} : vector<32x128xf32> to vector<16x128xf32>
      %get3A_747 = arith.constant 0 : index
      %get3A_748 = arith.constant 0 : index
      %get3A_749 = vector.load %arg3[%get3A_747, %get3A_748] : memref<256x640xbf16, #tpu.memory_space<vmem>>, vector<128x640xbf16>
      %dot_general3A_750 = arith.constant dense<0.000000e+00> : vector<16x640xf32>
      %dot_general3A_751 = tpu.matmul %convert_element_type3A_742, %get3A_749, %dot_general3A_750 {dimension_numbers = #tpu.dot_dimension_numbers<[1], [0], [0], [1], [0, 0, 1, 1], [], []>, transpose_lhs_hint = false} : vector<16x128xbf16>, vector<128x640xbf16>, vector<16x640xf32> -> vector<16x640xf32>
      %get3A_752 = arith.constant 128 : index
      %get3A_753 = arith.constant 0 : index
      %get3A_754 = vector.load %arg3[%get3A_752, %get3A_753] : memref<256x640xbf16, #tpu.memory_space<vmem>>, vector<128x640xbf16>
      %dot_general3A_755 = arith.constant dense<0.000000e+00> : vector<16x640xf32>
      %dot_general3A_756 = tpu.matmul %convert_element_type3A_744, %get3A_754, %dot_general3A_755 {dimension_numbers = #tpu.dot_dimension_numbers<[1], [0], [0], [1], [0, 0, 1, 1], [], []>, transpose_lhs_hint = false} : vector<16x128xbf16>, vector<128x640xbf16>, vector<16x640xf32> -> vector<16x640xf32>
      %add3A_757 = arith.addf %dot_general3A_751, %dot_general3A_756 : vector<16x640xf32>
      %get3A_758 = arith.constant 0 : index
      %get3A_759 = arith.constant 0 : index
      %get3A_760 = vector.load %arg4[%get3A_758, %get3A_759] : memref<1x640xf32, #tpu.memory_space<vmem>>, vector<1x640xf32>
      %add3A_761 = vector.broadcast %get3A_760 : vector<1x640xf32> to vector<16x640xf32>
      %add3A_762 = arith.addf %add3A_757, %add3A_761 : vector<16x640xf32>
      %slice3A_763 = vector.extract_strided_slice %add3A_762 {offsets = [0, 0], sizes = [16, 128], strides = [1, 1]} : vector<16x640xf32> to vector<16x128xf32>
      %tanh3A_764 = math.tanh %slice3A_763 : vector<16x128xf32>
      %mul3A_765 = arith.constant 5.000000e-01 : f32
      %mul3A_766 = vector.broadcast %mul3A_765 : f32 to vector<16x128xf32>
      %mul3A_767 = arith.mulf %mul3A_766, %tanh3A_764 : vector<16x128xf32>
      %add3A_768 = arith.constant 5.000000e-01 : f32
      %add3A_769 = vector.broadcast %add3A_768 : f32 to vector<16x128xf32>
      %add3A_770 = arith.addf %mul3A_767, %add3A_769 : vector<16x128xf32>
      %slice3A_771 = vector.extract_strided_slice %add3A_762 {offsets = [0, 128], sizes = [16, 128], strides = [1, 1]} : vector<16x640xf32> to vector<16x128xf32>
      %tanh3A_772 = math.tanh %slice3A_771 : vector<16x128xf32>
      %mul3A_773 = arith.constant 5.000000e-01 : f32
      %mul3A_774 = vector.broadcast %mul3A_773 : f32 to vector<16x128xf32>
      %mul3A_775 = arith.mulf %mul3A_774, %tanh3A_772 : vector<16x128xf32>
      %add3A_776 = arith.constant 5.000000e-01 : f32
      %add3A_777 = vector.broadcast %add3A_776 : f32 to vector<16x128xf32>
      %add3A_778 = arith.addf %mul3A_775, %add3A_777 : vector<16x128xf32>
      %slice3A_779 = vector.extract_strided_slice %add3A_762 {offsets = [0, 256], sizes = [16, 128], strides = [1, 1]} : vector<16x640xf32> to vector<16x128xf32>
      %tanh3A_780 = math.tanh %slice3A_779 : vector<16x128xf32>
      %mul3A_781 = arith.constant 5.000000e-01 : f32
      %mul3A_782 = vector.broadcast %mul3A_781 : f32 to vector<16x128xf32>
      %mul3A_783 = arith.mulf %mul3A_782, %tanh3A_780 : vector<16x128xf32>
      %add3A_784 = arith.constant 5.000000e-01 : f32
      %add3A_785 = vector.broadcast %add3A_784 : f32 to vector<16x128xf32>
      %add3A_786 = arith.addf %mul3A_783, %add3A_785 : vector<16x128xf32>
      %slice3A_787 = vector.extract_strided_slice %add3A_762 {offsets = [0, 384], sizes = [16, 128], strides = [1, 1]} : vector<16x640xf32> to vector<16x128xf32>
      %tanh3A_788 = math.tanh %slice3A_787 : vector<16x128xf32>
      %mul3A_789 = arith.constant 5.000000e-01 : f32
      %mul3A_790 = vector.broadcast %mul3A_789 : f32 to vector<16x128xf32>
      %mul3A_791 = arith.mulf %mul3A_790, %tanh3A_788 : vector<16x128xf32>
      %add3A_792 = arith.constant 5.000000e-01 : f32
      %add3A_793 = vector.broadcast %add3A_792 : f32 to vector<16x128xf32>
      %add3A_794 = arith.addf %mul3A_791, %add3A_793 : vector<16x128xf32>
      %slice3A_795 = vector.extract_strided_slice %add3A_762 {offsets = [0, 512], sizes = [16, 128], strides = [1, 1]} : vector<16x640xf32> to vector<16x128xf32>
      %tanh3A_796 = math.tanh %slice3A_795 : vector<16x128xf32>
      %mul3A_797 = arith.mulf %add3A_770, %tanh3A_796 : vector<16x128xf32>
      %mul3A_798 = arith.mulf %add3A_778, %slice3A_745 : vector<16x128xf32>
      %add3A_799 = arith.addf %mul3A_797, %mul3A_798 : vector<16x128xf32>
      %mul3A_800 = arith.mulf %add3A_786, %slice3A_746 : vector<16x128xf32>
      %add3A_801 = arith.addf %add3A_799, %mul3A_800 : vector<16x128xf32>
      %tanh3A_802 = math.tanh %add3A_801 : vector<16x128xf32>
      %mul3A_803 = arith.mulf %add3A_794, %tanh3A_802 : vector<16x128xf32>
      %convert_element_type3A_804 = arith.truncf %mul3A_803 : vector<16x128xf32> to vector<16x128xbf16>
      %get3A_805 = arith.constant 0 : index
      %get3A_806 = arith.constant 0 : index
      %get3A_807 = vector.load %arg7[%get3A_805, %get3A_806] : memref<128x512xbf16, #tpu.memory_space<vmem>>, vector<128x512xbf16>
      %dot_general3A_808 = arith.constant dense<0.000000e+00> : vector<16x512xf32>
      %dot_general3A_809 = tpu.matmul %convert_element_type3A_804, %get3A_807, %dot_general3A_808 {dimension_numbers = #tpu.dot_dimension_numbers<[1], [0], [0], [1], [0, 0, 1, 1], [], []>, transpose_lhs_hint = false} : vector<16x128xbf16>, vector<128x512xbf16>, vector<16x512xf32> -> vector<16x512xf32>
      %get3A_810 = arith.constant 0 : index
      %get3A_811 = arith.constant 0 : index
      %get3A_812 = vector.load %arg8[%get3A_810, %get3A_811] : memref<1x512xf32, #tpu.memory_space<vmem>>, vector<1x512xf32>
      %add3A_813 = vector.broadcast %get3A_812 : vector<1x512xf32> to vector<16x512xf32>
      %add3A_814 = arith.addf %dot_general3A_809, %add3A_813 : vector<16x512xf32>
      %slice3A_815 = vector.extract_strided_slice %add3A_814 {offsets = [0, 0], sizes = [16, 128], strides = [1, 1]} : vector<16x512xf32> to vector<16x128xf32>
      %tanh3A_816 = math.tanh %slice3A_815 : vector<16x128xf32>
      %mul3A_817 = arith.constant 5.000000e-01 : f32
      %mul3A_818 = vector.broadcast %mul3A_817 : f32 to vector<16x128xf32>
      %mul3A_819 = arith.mulf %mul3A_818, %tanh3A_816 : vector<16x128xf32>
      %add3A_820 = arith.constant 5.000000e-01 : f32
      %add3A_821 = vector.broadcast %add3A_820 : f32 to vector<16x128xf32>
      %add3A_822 = arith.addf %mul3A_819, %add3A_821 : vector<16x128xf32>
      %slice3A_823 = vector.extract_strided_slice %add3A_814 {offsets = [0, 128], sizes = [16, 128], strides = [1, 1]} : vector<16x512xf32> to vector<16x128xf32>
      %tanh3A_824 = math.tanh %slice3A_823 : vector<16x128xf32>
      %mul3A_825 = arith.constant 5.000000e-01 : f32
      %mul3A_826 = vector.broadcast %mul3A_825 : f32 to vector<16x128xf32>
      %mul3A_827 = arith.mulf %mul3A_826, %tanh3A_824 : vector<16x128xf32>
      %add3A_828 = arith.constant 5.000000e-01 : f32
      %add3A_829 = vector.broadcast %add3A_828 : f32 to vector<16x128xf32>
      %add3A_830 = arith.addf %mul3A_827, %add3A_829 : vector<16x128xf32>
      %slice3A_831 = vector.extract_strided_slice %add3A_814 {offsets = [0, 256], sizes = [16, 128], strides = [1, 1]} : vector<16x512xf32> to vector<16x128xf32>
      %tanh3A_832 = math.tanh %slice3A_831 : vector<16x128xf32>
      %mul3A_833 = arith.constant 5.000000e-01 : f32
      %mul3A_834 = vector.broadcast %mul3A_833 : f32 to vector<16x128xf32>
      %mul3A_835 = arith.mulf %mul3A_834, %tanh3A_832 : vector<16x128xf32>
      %add3A_836 = arith.constant 5.000000e-01 : f32
      %add3A_837 = vector.broadcast %add3A_836 : f32 to vector<16x128xf32>
      %add3A_838 = arith.addf %mul3A_835, %add3A_837 : vector<16x128xf32>
      %slice3A_839 = vector.extract_strided_slice %add3A_814 {offsets = [0, 384], sizes = [16, 128], strides = [1, 1]} : vector<16x512xf32> to vector<16x128xf32>
      %tanh3A_840 = math.tanh %slice3A_839 : vector<16x128xf32>
      %mul3A_841 = arith.mulf %add3A_822, %tanh3A_840 : vector<16x128xf32>
      %mul3A_842 = arith.mulf %add3A_830, %add3A_801 : vector<16x128xf32>
      %add3A_843 = arith.addf %mul3A_841, %mul3A_842 : vector<16x128xf32>
      %tanh3A_844 = math.tanh %add3A_843 : vector<16x128xf32>
      %mul3A_845 = arith.mulf %add3A_838, %tanh3A_844 : vector<16x128xf32>
      %convert_element_type3A_846 = arith.truncf %mul3A_845 : vector<16x128xf32> to vector<16x128xbf16>
      %get3A_847 = arith.constant 0 : index
      %get3A_848 = arith.constant 0 : index
      %get3A_849 = vector.load %arg11[%get3A_847, %get3A_848] : memref<128x2xbf16, #tpu.memory_space<vmem>>, vector<128x2xbf16>
      %dot_general3A_850 = arith.constant dense<0.000000e+00> : vector<16x2xf32>
      %dot_general3A_851 = tpu.matmul %convert_element_type3A_846, %get3A_849, %dot_general3A_850 {dimension_numbers = #tpu.dot_dimension_numbers<[1], [0], [0], [1], [0, 0, 1, 1], [], []>, transpose_lhs_hint = false} : vector<16x128xbf16>, vector<128x2xbf16>, vector<16x2xf32> -> vector<16x2xf32>
      %get3A_852 = arith.constant 0 : index
      %get3A_853 = arith.constant 0 : index
      %get3A_854 = vector.load %arg12[%get3A_852, %get3A_853] : memref<1x2xf32, #tpu.memory_space<vmem>>, vector<1x2xf32>
      %add3A_855 = vector.broadcast %get3A_854 : vector<1x2xf32> to vector<16x2xf32>
      %add3A_856 = arith.addf %dot_general3A_851, %add3A_855 : vector<16x2xf32>
      %swap3A = arith.constant 0 : index
      %swap3A_857 = arith.constant 0 : index
      %swap3A_858 = vector.load %arg13[%swap3A, %swap3A_857] : memref<16x2xf32, #tpu.memory_space<vmem>>, vector<16x2xf32>
      tpu.vector_store %arg13[%swap3A, %swap3A_857], %add3A_856 {strides = array<i32>} : memref<16x2xf32, #tpu.memory_space<vmem>>, vector<16x2xf32>,
    } else {
    }
    return
  }
  func.func @transform_0(%arg0: i32) -> (i32, i32) {
    %min3A = arith.constant 1 : i32
    %min3A_0 = arith.minsi %arg0, %min3A : i32
    %c0_i32 = arith.constant 0 : i32
    %c0_i32_1 = arith.constant 0 : i32
    return %min3A_0, %c0_i32 : i32, i32
  }
  func.func @transform_1(%arg0: i32) -> (i32, i32) {
    %min3A = arith.constant 1 : i32
    %min3A_0 = arith.minsi %arg0, %min3A : i32
    %add3A = arith.constant 2 : i32
    %add3A_1 = arith.addi %add3A, %min3A_0 : i32
    %c0_i32 = arith.constant 0 : i32
    %c0_i32_2 = arith.constant 0 : i32
    return %add3A_1, %c0_i32 : i32, i32
  }
  func.func @transform_2(%arg0: i32) -> (i32, i32) {
    %c0_i32 = arith.constant 0 : i32
    %c0_i32_0 = arith.constant 0 : i32
    %c0_i32_1 = arith.constant 0 : i32
    return %c0_i32, %c0_i32_0 : i32, i32
  }
  func.func @transform_3(%arg0: i32) -> (i32, i32) {
    %c0_i32 = arith.constant 0 : i32
    %c0_i32_0 = arith.constant 0 : i32
    %c0_i32_1 = arith.constant 0 : i32
    return %c0_i32, %c0_i32_0 : i32, i32
  }
  func.func @transform_4(%arg0: i32) -> (i32, i32) {
    %c0_i32 = arith.constant 0 : i32
    %c0_i32_0 = arith.constant 0 : i32
    %c0_i32_1 = arith.constant 0 : i32
    return %c0_i32, %c0_i32_0 : i32, i32
  }
  func.func @transform_5(%arg0: i32) -> (i32, i32) {
    %c0_i32 = arith.constant 0 : i32
    %c0_i32_0 = arith.constant 0 : i32
    %c0_i32_1 = arith.constant 0 : i32
    return %c0_i32, %c0_i32_0 : i32, i32
  }
  func.func @transform_6(%arg0: i32) -> (i32, i32) {
    %c0_i32 = arith.constant 0 : i32
    %c0_i32_0 = arith.constant 0 : i32
    %c0_i32_1 = arith.constant 0 : i32
    return %c0_i32, %c0_i32_0 : i32, i32
  }
  func.func @transform_7(%arg0: i32) -> (i32, i32) {
    %c0_i32 = arith.constant 0 : i32
    %c0_i32_0 = arith.constant 0 : i32
    %c0_i32_1 = arith.constant 0 : i32
    return %c0_i32, %c0_i32_0 : i32, i32
  }
  func.func @transform_8(%arg0: i32) -> (i32, i32) {
    %c0_i32 = arith.constant 0 : i32
    %c0_i32_0 = arith.constant 0 : i32
    %c0_i32_1 = arith.constant 0 : i32
    return %c0_i32, %c0_i32_0 : i32, i32
  }
  func.func @transform_9(%arg0: i32) -> (i32, i32) {
    %c0_i32 = arith.constant 0 : i32
    %c0_i32_0 = arith.constant 0 : i32
    %c0_i32_1 = arith.constant 0 : i32
    return %c0_i32, %c0_i32_0 : i32, i32
  }
  func.func @transform_10(%arg0: i32) -> (i32, i32) {
    %c0_i32 = arith.constant 0 : i32
    %c0_i32_0 = arith.constant 0 : i32
    %c0_i32_1 = arith.constant 0 : i32
    return %c0_i32, %c0_i32_0 : i32, i32
  }
  func.func @transform_11(%arg0: i32) -> (i32, i32) {
    %c0_i32 = arith.constant 0 : i32
    %c0_i32_0 = arith.constant 0 : i32
    %c0_i32_1 = arith.constant 0 : i32
    return %c0_i32, %c0_i32_0 : i32, i32
  }
  func.func @transform_12(%arg0: i32) -> (i32, i32) {
    %c0_i32 = arith.constant 0 : i32
    %c0_i32_0 = arith.constant 0 : i32
    %c0_i32_1 = arith.constant 0 : i32
    return %c0_i32, %c0_i32_0 : i32, i32
  }
}

</mosaic_0001>

<sc_bundles>
// kernel: kernel.4.cloned.1.call-start
scs
__scs_entry_jumppad:
0x0: {  	(pc) =	sbr.rel $0x88, $3  }
0x1: {  	(tag) =	ssettag $0x0;
	lr =	simm.s32 $0x1  }
0x2: {  	[smem:$0x3F95] =	sst lr;
	_ =	strace $0xD0000000  }
0x3: {  	_ = 	snop  }
0x4: {  	_ = 	snop  }
0x5: {  	_ = 	snop  }
0x6: {  	_ = 	snop  }
0x7: {  	_ = 	snop  }
__scs_overlays_trampoline_lowered:
0x8: {  	[smem:$0x3FA4] =	sst s0  }
0x9: {  	[smem:$0x3FA5] =	sst s1  }
0xa: {  	[smem:$0x3FA6] =	sst s2  }
0xb: {  	[smem:$0x3FA7] =	sst s3  }
0xc: {  	[smem:$0x3FA8] =	sst s4  }
0xd: {  	[smem:$0x3FA9] =	sst s5  }
0xe: {  	[smem:$0x3FAA] =	sst s6  }
0xf: {  	[smem:$0x3FAB] =	sst s7  }
0x10: {  	[smem:$0x3FAC] =	sst s8  }
0x11: {  	[smem:$0x3FAD] =	sst s9;
	s0 =	simm.s32 @!p0 $0x0  }
0x12: {  	s1 =	sld [smem:$0x3F93];
	s0 =	simm.s32 @p0 $0x1  }
0x13: {  	[smem:$0x3FAE] =	sst s0;
	s0 =	simm.s32 @!p1 $0x0  }
0x14: {  	s2 =	sld [smem:$0x3F92];
	s0 =	simm.s32 @p1 $0x1  }
0x15: {  	[smem:$0x3FAF] =	sst s0;
	s0 =	simm.s32 @!p2 $0x0  }
0x16: {  	s3 =	sld [smem:$0x3FDB];
	s0 =	simm.s32 @p2 $0x1  }
0x17: {  	s4 =	simm.s32 $0x1BF5;
	[smem:$0x3FB1] =	sst s0  }
0x18: {  	s0 =	sld [smem:$0x3F94];
	_ =	swait.ge [sflag:s4], $0x0  }
0x19: {  	s7 =	sld [smem:$0x3F95]  }
0x1a: {  	s8 =	sadd.s32 $0xFFFFE003, lr  }
0x1b: {  	s9 =	sadd.s32 $0xFFFFFEF7, lr;
	s5 =	simm.s32 $0xFFFFFFFF;
	p2 =	slt.u32 s8, $0xFFFFF086  }
0x1c: {  	p1 =	slt.u32 s9, $0xF7A;
	s5 =	simm.s32 @!p2 $0x0  }
0x1d: {  	s5 =	simm.s32 @p1 $0x1;
	p0 =	seq.s32 s7, s2  }
0x1e: {  	s7 =	smul.u32 @!p0 $0xF7A, s2;
	p2 =	seq.s32 @!p0 s5, $0x0  }
0x1f: {  	s9 =	smul.u32 $0xF7A, s1;
	s8 =	simm.s32 @!p0 $0x1BF5;
	p2 =	por !p2, p0  }
0x20: {  	[sflag:s8] =	ssyncset.s32 @!p0 $0xFFFFF086;
	s6 =	sadd.s32 @!p0 s3, s7;
	s7 =	simm.s32 @!p0 $0x108  }
0x21: {  	s3 =	sadd.s32 s3, s9;
	s6 =	sadd.s32 @!p0 $0x88, s6;
	s7 =	simm.s32 @p2 $0x1082  }
0x22: {  	[simem:s7], [sflag:s8] =	dma.local @!p0 [hbm:s6], $0xF7A  }
0x23: {  	s9 =	sor.u32 $0xD0000000, s2;
	s6 =	simm.s32 $0x108;
	_ =	swait.ge @!p0 [sflag:s8], $0x0  }
0x24: {  	s3 =	sadd.s32 $0x88, s3;
	s6 =	simm.s32 @!p1 $0x1082;
	[sflag:s4] =	ssyncset.s32 $0xFFFFF086  }
0x25: {  	[simem:s6], [sflag:s4] =	dma.local [hbm:s3], $0xF7A  }
0x26: {  	[smem:$0x3F95] =	sst s1;
	(tag) =	ssettag s2;
	_ =	strace s9  }
0x27: {  	s1 =	sld [smem:$0x3FA5]  }
0x28: {  	s2 =	sld [smem:$0x3FA6]  }
0x29: {  	s4 =	sld [smem:$0x3FA8]  }
0x2a: {  	p0 =	seq.s32 s5, $0x0;
	s5 =	sld [smem:$0x3FA9]  }
0x2b: {  	s6 =	sld [smem:$0x3FAA]  }
0x2c: {  	s7 =	sld [smem:$0x3FAB]  }
0x2d: {  	s3 =	simm.s32 $0x108;
	s8 =	sld [smem:$0x3FAC]  }
0x2e: {  	s3 =	simm.s32 @!p0 $0x1082;
	s9 =	sld [smem:$0x3FAD]  }
0x2f: {  	lr =	sadd.s32 s0, s3;
	s0 =	sld [smem:$0x3FA4]  }
0x30: {  	s3 =	sld [smem:$0x3FA7]  }
0x31: {  	[smem:$0x3FB0] =	sst s10  }
0x32: {  	s10 =	sld [smem:$0x3FAE];
	_ =	sdelay $0x3  }
0x33: {  	p0 =	seq.s32 s10, $0x1;
	s10 =	sld [smem:$0x3FB0];
	_ =	sdelay $0x3  }
0x34: {  	[smem:$0x3FB0] =	sst s10  }
0x35: {  	s10 =	sld [smem:$0x3FAF];
	_ =	sdelay $0x3  }
0x36: {  	p1 =	seq.s32 s10, $0x1;
	s10 =	sld [smem:$0x3FB0];
	_ =	sdelay $0x3  }
0x37: {  	[smem:$0x3FB0] =	sst s10  }
0x38: {  	s10 =	sld [smem:$0x3FB1]  }
0x39: {  	_ = 	snop;
	(pc) =	sbr.ind lr, $3  }
0x3a: {  	_ = 	snop  }
0x3b: {  	_ = 	snop  }
0x3c: {  	p2 =	seq.s32 s10, $0x1;
	s10 =	sld [smem:$0x3FB0]  }
0x3d: {  	_ =	shalt  }
0x3e: {  	_ =	shalt  }
0x3f: {  	_ =	shalt  }
0x40: {  	_ =	shalt  }
0x41: {  	_ =	shalt  }
0x42: {  	_ =	shalt  }
0x43: {  	_ =	shalt  }
0x44: {  	_ =	shalt  }
0x45: {  	_ =	shalt  }
0x46: {  	_ =	shalt  }
0x47: {  	_ =	shalt  }
0x48: {  	_ =	shalt  }
0x49: {  	_ =	shalt  }
0x4a: {  	_ =	shalt  }
0x4b: {  	_ =	shalt  }
0x4c: {  	_ =	shalt  }
0x4d: {  	_ =	shalt  }
0x4e: {  	_ =	shalt  }
0x4f: {  	_ =	shalt  }
0x50: {  	_ =	shalt  }
0x51: {  	_ =	shalt  }
0x52: {  	_ =	shalt  }
0x53: {  	_ =	shalt  }
0x54: {  	_ =	shalt  }
0x55: {  	_ =	shalt  }
0x56: {  	_ =	shalt  }
0x57: {  	_ =	shalt  }
0x58: {  	_ =	shalt  }
0x59: {  	_ =	shalt  }
0x5a: {  	_ =	shalt  }
0x5b: {  	_ =	shalt  }
0x5c: {  	_ =	shalt  }
0x5d: {  	_ =	shalt  }
0x5e: {  	_ =	shalt  }
0x5f: {  	_ =	shalt  }
0x60: {  	_ =	shalt  }
0x61: {  	_ =	shalt  }
0x62: {  	_ =	shalt  }
0x63: {  	_ =	shalt  }
0x64: {  	_ =	shalt  }
0x65: {  	_ =	shalt  }
0x66: {  	_ =	shalt  }
0x67: {  	_ =	shalt  }
0x68: {  	_ =	shalt  }
0x69: {  	_ =	shalt  }
0x6a: {  	_ =	shalt  }
0x6b: {  	_ =	shalt  }
0x6c: {  	_ =	shalt  }
0x6d: {  	_ =	shalt  }
0x6e: {  	_ =	shalt  }
0x6f: {  	_ =	shalt  }
0x70: {  	_ =	shalt  }
0x71: {  	_ =	shalt  }
0x72: {  	_ =	shalt  }
0x73: {  	_ =	shalt  }
0x74: {  	_ =	shalt  }
0x75: {  	_ =	shalt  }
0x76: {  	_ =	shalt  }
0x77: {  	_ =	shalt  }
0x78: {  	_ =	shalt  }
0x79: {  	_ =	shalt  }
0x7a: {  	_ =	shalt  }
0x7b: {  	_ =	shalt  }
0x7c: {  	_ =	shalt  }
0x7d: {  	_ =	shalt  }
0x7e: {  	_ =	shalt  }
0x7f: {  	_ =	shalt  }
0x80: {  	_ =	shalt  }
0x81: {  	_ =	shalt  }
0x82: {  	_ =	shalt  }
0x83: {  	_ =	shalt  }
0x84: {  	_ =	shalt  }
0x85: {  	_ =	shalt  }
0x86: {  	_ =	shalt  }
0x87: {  	_ =	shalt  }
.Lfunc_end0:
.L_simem_size_0:
called_computation_lowered:
.L_overlay_start_0:
0x88: {  	s2 =	sld [smem:$0x3FD9]  }
0x89: {  	s3 =	sld [smem:$0x3FFE];
	_ =	sdelay $0x1  }
0x8a: {  	s1 =	srdreg.scid  }
0x8b: {  	s0 =	sand.u32 $0x1, s1  }
0x8c: {  	s17 =	sshll.u32 s0, $0xA;
	s2 =	sadd.s32 s3, s2  }
0x8d: {  	s2 =	sadd.s32 s2, s17  }
0x8e: {  	[smem:$0x3FBC] =	sst s2  }
0x8f: {  	_ = 	snop  }
0x90: {  	s2 =	sld [smem:$0x3FC9]  }
0x91: {  	s18 =	sld [smem:$0x3FC8];
	(tm) =	ssettm $0x1  }
0x92: {  	s4 =	sld [smem:$0x3FFB];
	_ =	sdelay $0x3  }
0x93: {  	_ =	strace s4  }
0x94: {  	s4 =	sld [smem:$0x3FFC];
	_ =	sdelay $0x3  }
0x95: {  	_ =	strace s4  }
0x96: {  	s4 =	sld [smem:$0x3FFD];
	_ =	sdelay $0x3  }
0x97: {  	_ =	strace s4  }
0x98: {  	_ =	strace $0x8FFFFFFF  }
0x99: {  	s19 =	sld [smem:$0x3FDB];
	_ =	sdelay $0x1  }
0x9a: {  	s5 =	simm.s32 $_scs_section_size  }
0x9b: {  	s6 =	simm.s32 $_size__tile_overlayer_lowered;
	s7 =	simm.s32 $_tile_overlayer_lowered  }
0x9c: {  	s22 =	simm.s32 $0x1BFF;
	s21 =	sshll.u32 s7, $0x1;
	s4 =	sadd.s32 s5, s19  }
0x9d: {  	s8 =	simm.s32 $0x0;
	s20 =	sshll.u32 s6, $0x1;
	s6 =	sadd.s32 s21, s4  }
0x9e: {  	[timem:s8], [sflag:s22] =	dma.local [hbm:s6], s20  }
0x9f: {  	_ =	swait.ge [sflag:s22], s20  }
0xa0: {  	s5 =	ssub.s32 $0x0, s20;
	[sflag:s22] =	ssyncset.done $0x0  }
0xa1: {  	[sflag:s22] =	ssyncadd.s32 s5;
	_ =	sdelay $0x1  }
0xa2: {  	s23 =	simm.s32 $0x1B8B  }
0xa3: {  	_ =	swait.ge [sflag:s23], $0x1  }
0xa4: {  	[sflag:s23] =	ssyncset.done $0x0  }
0xa5: {  	s25 =	simm.s32 $0x1B8E;
	s24 =	sld [smem:$0x3FFE];
	[sflag:s23] =	ssyncadd.s32 $0xFFFFFFFF  }
0xa6: {  	s26 =	simm.s32 $execute0_lowered;
	[smem:$0x3FD2] =	sst s25  }
0xa7: {  	s6 =	sshll.u32 s26, $0x1;
	_ =	strace $0x80000046;
	[dreg:$0x1] =	wrdreg $0xFFFFFFFF  }
0xa8: {  	s28 =	simm.s32 $_size_execute0_lowered;
	s4 =	sadd.s32 s4, s6;
	[dreg:$0x0] =	wrdreg $0x0  }
0xa9: {  	s6 =	sshll.u32 s28, $0x1;
	[dreg:$0x2] =	wrdreg s4  }
0xaa: {  	[dreg:$0x3] =	wrdreg s6  }
0xab: {  	[dreg:$0x4] =	wrdreg $0xC0  }
0xac: {  	_ =	task [dreg:s8], $0x5FFFF  }
0xad: {  	[dreg:$0x1] =	wrdreg $0xFFFFFFFF  }
0xae: {  	[dreg:$0x0] =	wrdreg $0x60  }
0xaf: {  	[dreg:$0x2] =	wrdreg s24  }
0xb0: {  	[dreg:$0x3] =	wrdreg s2  }
0xb1: {  	[dreg:$0x4] =	wrdreg s18  }
0xb2: {  	[dreg:$0x5] =	wrdreg $0x9  }
0xb3: {  	_ =	task.clear_ibuf [dreg:s8], $0x6FFFF;
	_ =	strace $0x90000046  }
0xb4: {  	s29 =	simm.s32 $0x9;
	_ =	strace $0x80000048  }
0xb5: {  	_ =	swait.ge [sflag:s29], $0x1  }
0xb6: {  	[sflag:s29] =	ssyncadd.s32 $0xFFFFFFFF  }
0xb7: {  	_ =	strace $0x90000048  }
0xb8: {  	_ =	sfence  }
0xb9: {  	s30 =	sld [smem:$0x0];
	_ =	sdelay $0x2  }
0xba: {  	s31 =	sshll.u32 s1, $0xD;
	s1 =	sshrl.u32 s1, $0x2  }
0xbb: {  	s3 =	sand.u32 $0x4000, s31;
	s1 =	sadd.s32 s1, s30  }
0xbc: {  	s0 =	sor.u32 s3, s0;
	s1 =	sshll.u32 s1, $0x11  }
0xbd: {  	s0 =	sor.u32 s1, s0  }
0xbe: {  	s0 =	sadd.s32 $0x8F2B, s0  }
0xbf: {  	[sflag:s0] =	ssyncadd.remote.s32 $0x1  }
0xc0: {  	_ =	sfence.sel $0xFFFF  }
0xc1: {  	[dreg:$0x0] =	wrdreg $0xFFFFFFFF;
	(pc) =	sbr.abs _section_cstart, $3  }
0xc2: {  	[dreg:$0x1] =	wrdreg $0xFFFFFFFF  }
0xc3: {  	_ =	task.clear_ibuf [dreg:s8], $0x2FFFF;
	_ =	strace $0x9FFFFFFF  }
0xc4: {  	(tm) =	ssettm $0x7FFFFFFF  }
0xc5: {  	_ =	shalt  }
tec
execute0_lowered:
.L_overlay_start_1:
0x0: {  	(tag) =	ssettag $0x1  }
0x1: {  	s1 =	srdreg.scid  }
0x2: {  	s10 =	rddreg [dreg:$0x0];
	s0 =	stileid.u32;
	s9 =	sand.u32 $0x1, s1  }
0x3: {  	s2 =	rddreg [dreg:$0x1];
	s30 =	sshll.u32 s0, $0x9;
	s4 =	sshll.u32 s9, $0x8  }
0x4: {  	s3 =	rddreg [dreg:$0x2];
	s11 =	sor.u32 s4, s30  }
0x5: {  	s1 =	rddreg [dreg:$0x3];
	s4 =	simm.s32 $0x0;
	s5 =	sshrl.u32 s11, $0x3  }
0x6: {  	[smem:$0x7FF] =	sst s4;
	s5 =	sadd.s32 s5, s10  }
0x7: {  	_ =	strace $0x80000047;
	s6 =	sadd.s32 $0x1C00, s5;
	s5 =	simm.s32 $0x2  }
0x8: {  	[tilespmem:s4], [sflag:$0x2] =	stream.linear.gather [hbm4b:s6+s4], $0x100, $0x38;
	[tilespmem:$0x8200] =	vst v63  }
0x9: {  	_ =	swait.ge [sflag:s5], $0x100  }
0xa: {  	s7 =	simm.s32 $0x100;
	[sflag:s5] =	ssyncset.done $0x0  }
0xb: {  	s8 =	simm.s32 $0x1;
	s12 =	ssub.s32 $0x2, s9;
	[sflag:s5] =	ssyncadd.s32 $0xFFFFFF00  }
0xc: {  	[tilespmem:s7], [sflag:$0x1] =	stream.indirect.gather [hbm4b:s2+s7], $0x1, s4, s7, $0xb8;
	[tilespmem:$0x8200] =	vst v63  }
0xd: {  	s9 =	simm.s32 $0x200;
	s13 =	sshrl.u32 s12, $0x1;
	_ =	swait.ge [sflag:s8], $0x100  }
0xe: {  	s11 =	sshll.u32 s11, $0x4;
	s31 =	ssub.s32 s12, s13;
	[sflag:s8] =	ssyncset.done $0x0  }
0xf: {  	s10 =	sadd.s32 s11, s10;
	s11 =	smax.u32 s31, $0x1;
	[sflag:s8] =	ssyncadd.s32 $0xFFFFFF00  }
0x10: {  	[tilespmem:s9], [sflag:$0x1] =	stream.indirect.gather [hbm4b:s3+s7], $0x80, s7, s7, $0xb8;
	[tilespmem:$0x8200] =	vst v63  }
0x11: {  	p0 =	sne.s32 s11, $0x1;
	_ =	swait.ge [sflag:s8], $0x8000  }
.Ltmp0:
0x12: {  	[sflag:s8] =	ssyncset.done $0x0;
	(pc) =	sbr.rel @!p0 .LBB2_2-.Ltmp0, $4  }
0x13: {  	s10 =	sadd.s32 $0x2000, s10;
	[sflag:s8] =	ssyncadd.s32 $0xFFFF8000  }
0x14: {  	[hbm4b:s10+s4] =	stream.linear.scatter [tilespmem:s9], [sflag:$0x2], $0x8000, $0x38;
	[tilespmem:$0x8200] =	vst v63  }
0x15: {  	_ =	swait.ge [sflag:s5], $0x8000  }
0x16: {  	s11 =	sadd.s32 $0xFFFFFFFF, s11;
	[sflag:s5] =	ssyncset.done $0x0  }
.LBB2_1:
0x17: {  	p0 =	sne.s32 s11, $0x1;
	s11 =	sadd.s32 $0xFFFFFFFF, s11;
	[sflag:s5] =	ssyncadd.s32 $0xFFFF8000  }
0x18: {  	[tilespmem:s4], [sflag:$0x2] =	stream.linear.gather [hbm4b:s6+s4], $0x100, $0x38;
	[tilespmem:$0x8200] =	vst v63  }
0x19: {  	_ =	swait.ge [sflag:s5], $0x100  }
0x1a: {  	[sflag:s5] =	ssyncset.done $0x0  }
0x1b: {  	[sflag:s5] =	ssyncadd.s32 $0xFFFFFF00  }
0x1c: {  	[tilespmem:s7], [sflag:$0x1] =	stream.indirect.gather [hbm4b:s2+s7], $0x1, s4, s7, $0xb8;
	[tilespmem:$0x8200] =	vst v63  }
0x1d: {  	_ =	swait.ge [sflag:s8], $0x100  }
0x1e: {  	[sflag:s8] =	ssyncset.done $0x0  }
0x1f: {  	[sflag:s8] =	ssyncadd.s32 $0xFFFFFF00  }
0x20: {  	[tilespmem:s9], [sflag:$0x1] =	stream.indirect.gather [hbm4b:s3+s7], $0x80, s7, s7, $0xb8;
	[tilespmem:$0x8200] =	vst v63  }
0x21: {  	_ =	swait.ge [sflag:s8], $0x8000  }
.Ltmp1:
0x22: {  	[sflag:s8] =	ssyncset.done $0x0;
	(pc) =	sbr.rel @p0 .LBB2_1-.Ltmp1, $4  }
0x23: {  	[sflag:s8] =	ssyncadd.s32 $0xFFFF8000  }
0x24: {  	[hbm4b:s10+s4] =	stream.linear.scatter [tilespmem:s9], [sflag:$0x2], $0x8000, $0x38;
	[tilespmem:$0x8200] =	vst v63  }
0x25: {  	_ =	swait.ge [sflag:s5], $0x8000  }
0x26: {  	[sflag:s5] =	ssyncset.done $0x0  }
.LBB2_2:
0x27: {  	[sflag:s5] =	ssyncadd.s32 $0xFFFF8000  }
0x28: {  	_ =	sfence.sel $0x180000  }
0x29: {  	[bflag:$0x0] =	sbarrier.arrive $0xFFFF  }
0x2a: {  	p0 =	sne.s32 s0, $0x0;
	_ =	strace $0x90000047  }
0x2b: {  	s0 =	sadd.s32 @!p0 $0x100000, s1;
	[bflag:$0x2] =	sbarrier.arrive $0xFFFF  }
0x2c: {  	[sflag:s0] =	ssyncadd.tile.s32 @!p0 $0x1;
	_ =	shalt  }
.Lfunc_end2:
_tile_overlayer_lowered:
.L_overlay_start_2:
0x2d: {  	(tag) =	ssettag $0x2  }
0x2e: {  	s0 =	rddreg [dreg:$0x0];
	s2 =	stileid.u32  }
0x2f: {  	s1 =	rddreg [dreg:$0x1];
	p0 =	sne.s32 s2, $0x0  }
0x30: {  	s3 =	rddreg [dreg:$0x2];
	[bflag:$0x3] =	sbarrier.arrive $0xFFFF;
	s2 =	simm.s32 @!p0 $0x1C02  }
0x31: {  	[timem:s3], [sflag:s2] =	dma.local @!p0 [hbm:s0], s1  }
0x32: {  	s0 =	simm.s32 @!p0 $0x2  }
0x33: {  	_ =	swait.ge @!p0 [sflag:s0], s1  }
0x34: {  	s1 =	ssub.s32 @!p0 $0x0, s1;
	[sflag:s0] =	ssyncset.done @!p0 $0x0  }
0x35: {  	[sflag:s0] =	ssyncadd.s32 @!p0 s1  }
0x36: {  	[bflag:$0x3] =	sbarrier.arrive $0xFFFF  }
0x37: {  	_ =	shalt  }

</sc_bundles>
